<compile_context>
chip_gen: v7x
topology: tpu7x:2x2x1
jax: 0.10.2.dev20260603
libtpu: 0.0.44.dev20260713+nightly
codegen_flags: <defaults>
</compile_context>

<pallas_src>
import jax
import jax.numpy as jnp
from jax import lax
from jax.experimental import pallas as pl
from jax.experimental.pallas import tpu as pltpu
from jax.experimental.pallas import tpu_sc as plsc

N = 10000
E = 320000
D = 128
NC, NS = 2, 16
K = 128
CPW = 80
IB = 16
DIB = 16
E_PAD = NC * NS * CPW * K
NP = 10240
RPT = NP // NS
HB = NP // K
GB = NP // 1024

_MESH = plsc.VectorSubcoreMesh(
    core_axis_name="c", subcore_axis_name="s", num_cores=NC, num_subcores=NS)


def _worker_layout(c, s):
    rbase = (c * NS + s) * CPW
    nblk = CPW // IB
    return rbase, nblk


def _deg_body(src2_hbm, dst2_hbm, zer2_hbm, iden_hbm, out_s, out_d,
              sh_s, sh_d, hs_v, hd_v, sidx, didx, iden_v, tbuf):
    c = lax.axis_index("c")
    s = lax.axis_index("s")
    rbase, _ = _worker_layout(c, s)
    nblk = CPW // DIB
    pltpu.sync_copy(zer2_hbm, hs_v)
    pltpu.sync_copy(zer2_hbm, hd_v)
    pltpu.sync_copy(iden_hbm, iden_v)

    @pl.when(s < HB // 8)
    def _():
        pltpu.sync_copy(hs_v.at[pl.ds(s * 8, 8)], sh_s.at[pl.ds(s * 8, 8)])
        pltpu.sync_copy(hd_v.at[pl.ds(s * 8, 8)], sh_d.at[pl.ds(s * 8, 8)])

    ones = jnp.ones((16,), jnp.float32)

    def blk(bi, carry):
        pltpu.sync_copy(src2_hbm.at[pl.ds(rbase + bi * DIB, DIB)], sidx)
        pltpu.sync_copy(dst2_hbm.at[pl.ds(rbase + bi * DIB, DIB)], didx)

        def step(i, carry2):
            for j in range(K // 16):
                si = sidx[i, pl.ds(j * 16, 16)]
                plsc.addupdate_scatter(
                    hs_v,
                    [lax.shift_right_logical(si, 7), lax.bitwise_and(si, 127)],
                    ones)
                di = didx[i, pl.ds(j * 16, 16)]
                plsc.addupdate_scatter(
                    hd_v,
                    [lax.shift_right_logical(di, 7), lax.bitwise_and(di, 127)],
                    ones)
            return carry2

        lax.fori_loop(0, DIB, step, 0)
        return carry

    lax.fori_loop(0, nblk, blk, 0)
    plsc.subcore_barrier()
    pltpu.sync_copy(hs_v, sh_s.at[iden_v], add=True)
    pltpu.sync_copy(hd_v, sh_d.at[iden_v], add=True)
    plsc.subcore_barrier()

    @pl.when(s < HB // 8)
    def _():
        pltpu.sync_copy(sh_s.at[pl.ds(s * 8, 8)], tbuf)
        pltpu.sync_copy(tbuf, out_s.at[pl.ds(c * HB + s * 8, 8)])
        pltpu.sync_copy(sh_d.at[pl.ds(s * 8, 8)], tbuf)
        pltpu.sync_copy(tbuf, out_d.at[pl.ds(c * HB + s * 8, 8)])


_deg_kernel = pl.kernel(
    _deg_body,
    out_type=[jax.ShapeDtypeStruct((NC * HB, 128), jnp.float32),
              jax.ShapeDtypeStruct((NC * HB, 128), jnp.float32)],
    mesh=_MESH,
    scratch_types=[
        pltpu.VMEM_SHARED((HB, 128), jnp.float32),
        pltpu.VMEM_SHARED((HB, 128), jnp.float32),
        pltpu.VMEM((HB, 128), jnp.float32),
        pltpu.VMEM((HB, 128), jnp.float32),
        pltpu.VMEM((DIB, K), jnp.int32),
        pltpu.VMEM((DIB, K), jnp.int32),
        pltpu.VMEM((HB,), jnp.int32),
        pltpu.VMEM((8, 128), jnp.float32),
    ],
    compiler_params=pltpu.CompilerParams(needs_layout_passes=False),
)


def _edge_body(src2_hbm, dst2_hbm, h_hbm, zer2_hbm, out_acc,
               acc, sidx, didx, rows0, rows1, g0, g1):
    c = lax.axis_index("c")
    s = lax.axis_index("s")
    rbase, nblk = _worker_layout(c, s)
    pltpu.sync_copy(zer2_hbm, rows0)
    for j in range(RPT // K):
        pltpu.sync_copy(rows0, acc.at[pl.ds(s * RPT + j * K, K)])
    plsc.subcore_barrier()

    def blk(bi, carry):
        pltpu.sync_copy(src2_hbm.at[pl.ds(rbase + bi * IB, IB)], sidx)
        pltpu.sync_copy(dst2_hbm.at[pl.ds(rbase + bi * IB, IB)], didx)
        pltpu.async_copy(h_hbm.at[sidx.at[0]], rows0, g0)

        def step2(i2, carry2):
            i0 = 2 * i2
            pltpu.async_copy(h_hbm.at[sidx.at[i0 + 1]], rows1, g1)
            pltpu.make_async_copy(h_hbm.at[sidx.at[i0]], rows0, g0).wait()
            pltpu.sync_copy(rows0, acc.at[didx.at[i0]], add=True)

            @pl.when(i0 + 2 < IB)
            def _():
                pltpu.async_copy(h_hbm.at[sidx.at[i0 + 2]], rows0, g0)

            pltpu.make_async_copy(h_hbm.at[sidx.at[i0 + 1]], rows1, g1).wait()
            pltpu.sync_copy(rows1, acc.at[didx.at[i0 + 1]], add=True)
            return carry2

        lax.fori_loop(0, IB // 2, step2, 0)
        return carry

    lax.fori_loop(0, nblk, blk, 0)
    plsc.subcore_barrier()
    for j in range(RPT // K):
        pltpu.sync_copy(acc.at[pl.ds(s * RPT + j * K, K)], rows0)
        pltpu.sync_copy(
            rows0, out_acc.at[pl.ds(c * NP + s * RPT + j * K, K)])


_edge_kernel = pl.kernel(
    _edge_body,
    out_type=jax.ShapeDtypeStruct((NC * NP, D), jnp.float32),
    mesh=_MESH,
    scratch_types=[
        pltpu.VMEM_SHARED((NP, D), jnp.float32),
        pltpu.VMEM((IB, K), jnp.int32),
        pltpu.VMEM((IB, K), jnp.int32),
        pltpu.VMEM((K, D), jnp.float32),
        pltpu.VMEM((K, D), jnp.float32),
        pltpu.SemaphoreType.DMA,
        pltpu.SemaphoreType.DMA,
    ],
)


def _scale_body(f_ref, h0_ref, h1_ref, o_ref):
    cnt = h0_ref[0, 0, :] + h1_ref[0, 0, :]
    scale = lax.rsqrt(jnp.maximum(cnt, 1.0))
    o_ref[...] = f_ref[...] * scale[:, None]


def _out_body(a0_ref, a1_ref, h0_ref, h1_ref, w_ref, b_ref, o_ref):
    cnt = h0_ref[0, 0, :] + h1_ref[0, 0, :]
    inv = lax.rsqrt(jnp.maximum(cnt, 1.0))
    x = (a0_ref[...] + a1_ref[...]) * inv[:, None]
    y = jnp.dot(x, w_ref[...], preferred_element_type=jnp.float32)
    o_ref[...] = jnp.maximum(y + b_ref[0:1, :], 0.0)


def kernel(feature, edge_index, W, b):
    src = edge_index[0]
    dst = edge_index[1]
    pad = N + (jnp.arange(E_PAD - E, dtype=jnp.int32) % (NP - N))
    src2 = jnp.concatenate([src, pad]).reshape(E_PAD // K, K)
    dst2 = jnp.concatenate([dst, pad]).reshape(E_PAD // K, K)
    feature_p = jnp.pad(feature, ((0, NP - N), (0, 0)))
    zer_h = jnp.zeros((HB, 128), dtype=jnp.float32)
    zer_r = jnp.zeros((K, D), dtype=jnp.float32)
    iden = jnp.arange(HB, dtype=jnp.int32)
    b2 = jnp.broadcast_to(b, (8, D))

    hist_s, hist_d = _deg_kernel(src2, dst2, zer_h, iden)
    hist_s3 = hist_s.reshape(NC * GB, 1, 1024)
    hist_d3 = hist_d.reshape(NC * GB, 1, 1024)

    h = pl.pallas_call(
        _scale_body,
        grid=(GB,),
        in_specs=[pl.BlockSpec((1024, D), lambda i: (i, 0)),
                  pl.BlockSpec((1, 1, 1024), lambda i: (i, 0, 0)),
                  pl.BlockSpec((1, 1, 1024), lambda i: (i + GB, 0, 0))],
        out_specs=pl.BlockSpec((1024, D), lambda i: (i, 0)),
        out_shape=jax.ShapeDtypeStruct((NP, D), jnp.float32),
    )(feature_p, hist_s3, hist_s3)

    acc = _edge_kernel(src2, dst2, h, zer_r)

    out = pl.pallas_call(
        _out_body,
        grid=(GB,),
        in_specs=[pl.BlockSpec((1024, D), lambda i: (i, 0)),
                  pl.BlockSpec((1024, D), lambda i: (i + GB, 0)),
                  pl.BlockSpec((1, 1, 1024), lambda i: (i, 0, 0)),
                  pl.BlockSpec((1, 1, 1024), lambda i: (i + GB, 0, 0)),
                  pl.BlockSpec((128, D), lambda i: (0, 0)),
                  pl.BlockSpec((8, D), lambda i: (0, 0))],
        out_specs=pl.BlockSpec((1024, D), lambda i: (i, 0)),
        out_shape=jax.ShapeDtypeStruct((NP, D), jnp.float32),
    )(acc, acc, hist_d3, hist_d3, W, b2)

    return out[:N]

# --- scband reference (transcript-rebuilt; emitter-appended) ---
"""Pipeline reference for scband-conv-relu-90881507983641 (READ-ONLY COPY).

The authoritative reference and input builder live on the scoring server;
editing this copy changes nothing except your own understanding.
"""

import jax, jax.numpy as jnp
import numpy as np

N_NODES = 10000
N_EDGES = 320000
D_IN = 128
D_OUT = 128


def setup_inputs(seed: int = 0) -> dict:
    key = jax.random.key(seed)
    k1, k2, k3 = jax.random.split(key, 3)
    feature = jax.random.normal(k1, (N_NODES, D_IN), dtype=jnp.float32)
    edge_index = jax.random.randint(k2, (2, N_EDGES), 0, N_NODES, dtype=jnp.int32)
    # GraphConv learned params (xavier-uniform weight, zero bias, like DGL)
    limit = float(np.sqrt(6.0 / (D_IN + D_OUT)))
    W = jax.random.uniform(k3, (D_IN, D_OUT), dtype=jnp.float32, minval=-limit, maxval=limit)
    b = jnp.zeros((D_OUT,), dtype=jnp.float32)
    return {"feature": feature, "edge_index": edge_index, "W": W, "b": b}


def reference(feature, edge_index, W, b):
    # DGL GraphConv with norm='both', weight=True, bias=True, followed by ReLU.
    src = edge_index[0]
    dst = edge_index[1]
    # symmetric normalization: D_out^{-1/2} on source side, D_in^{-1/2} on dest side
    out_deg = jnp.clip(jnp.bincount(src, length=N_NODES), 1, None).astype(feature.dtype)
    in_deg = jnp.clip(jnp.bincount(dst, length=N_NODES), 1, None).astype(feature.dtype)
    h = feature * jax.lax.rsqrt(out_deg)[:, None]
    # message passing: gather from src, scatter-add to dst
    msgs = jnp.take(h, src, axis=0)
    agg = jax.ops.segment_sum(msgs, dst, num_segments=N_NODES)
    agg = agg * jax.lax.rsqrt(in_deg)[:, None]
    out = agg @ W + b
    f = jax.nn.relu(out)
    # original module returns (graph, f); graph is static, so return f
    return f

if __name__ == "__main__":
    import jax
    _d = setup_inputs()
    print(jax.jit(kernel)(*tuple(_d.values())))

</pallas_src>

<mosaic_0001>
#map = affine_map<(d0, d1) -> (0, 0)>
#map1 = affine_map<(d0, d1) -> (0)>
module attributes {stable_mosaic.version = 14 : i64} {
  func.func @_deg_body(%arg0: i32, %arg1: i32, %arg2: memref<2560x128xi32, #tpu.memory_space<hbm>>, %arg3: memref<2560x128xi32, #tpu.memory_space<hbm>>, %arg4: memref<80x128xf32, #tpu.memory_space<hbm>>, %arg5: memref<80xi32, #tpu.memory_space<hbm>>, %arg6: memref<160x128xf32, #tpu.memory_space<hbm>>, %arg7: memref<160x128xf32, #tpu.memory_space<hbm>>, %arg8: memref<80x128xf32, #tpu.memory_space<vmem_shared>>, %arg9: memref<80x128xf32, #tpu.memory_space<vmem_shared>>, %arg10: memref<80x128xf32, #tpu.memory_space<vmem>>, %arg11: memref<80x128xf32, #tpu.memory_space<vmem>>, %arg12: memref<16x128xi32, #tpu.memory_space<vmem>>, %arg13: memref<16x128xi32, #tpu.memory_space<vmem>>, %arg14: memref<80xi32, #tpu.memory_space<vmem>>, %arg15: memref<8x128xf32, #tpu.memory_space<vmem>>) attributes {dimension_semantics = [#tpu.dimension_semantics<core_parallel>, #tpu.dimension_semantics<subcore_parallel>], iteration_bounds = array<i64: 2, 16>, scalar_prefetch = 0 : i64, scratch_operands = 8 : i64, tpu.core_type = #tpu.core_type<sc_vector_subcore>, window_params = [{transform_indices = #map}, {transform_indices = #map}, {transform_indices = #map}, {transform_indices = #map1}, {transform_indices = #map}, {transform_indices = #map}]} {
    %mul3A = arith.constant 16 : i32
    %mul3A_0 = arith.muli %arg0, %mul3A : i32
    %add3A = arith.addi %mul3A_0, %arg1 : i32
    %mul3A_1 = arith.constant 80 : i32
    %mul3A_2 = arith.muli %add3A, %mul3A_1 : i32
    "tpu.region"() ({
      %run_scoped3A = tpu.sem_alloc : memref<!tpu.dma_semaphore, #tpu.memory_space<semaphore_mem>>
      tpu.enqueue_dma source(%arg4 : memref<80x128xf32, #tpu.memory_space<hbm>>) target(%arg10 : memref<80x128xf32, #tpu.memory_space<vmem>>) target_semaphore(%run_scoped3A : memref<!tpu.dma_semaphore, #tpu.memory_space<semaphore_mem>>)
      tpu.wait_dma2 semaphore(%run_scoped3A : memref<!tpu.dma_semaphore, #tpu.memory_space<semaphore_mem>>) src(%arg4 : memref<80x128xf32, #tpu.memory_space<hbm>>) dst(%arg10 : memref<80x128xf32, #tpu.memory_space<vmem>>)
      tpu.yield
    }) : () -> ()
    "tpu.region"() ({
      %run_scoped3A = tpu.sem_alloc : memref<!tpu.dma_semaphore, #tpu.memory_space<semaphore_mem>>
      tpu.enqueue_dma source(%arg4 : memref<80x128xf32, #tpu.memory_space<hbm>>) target(%arg11 : memref<80x128xf32, #tpu.memory_space<vmem>>) target_semaphore(%run_scoped3A : memref<!tpu.dma_semaphore, #tpu.memory_space<semaphore_mem>>)
      tpu.wait_dma2 semaphore(%run_scoped3A : memref<!tpu.dma_semaphore, #tpu.memory_space<semaphore_mem>>) src(%arg4 : memref<80x128xf32, #tpu.memory_space<hbm>>) dst(%arg11 : memref<80x128xf32, #tpu.memory_space<vmem>>)
      tpu.yield
    }) : () -> ()
    "tpu.region"() ({
      %run_scoped3A = tpu.sem_alloc : memref<!tpu.dma_semaphore, #tpu.memory_space<semaphore_mem>>
      tpu.enqueue_dma source(%arg5 : memref<80xi32, #tpu.memory_space<hbm>>) target(%arg14 : memref<80xi32, #tpu.memory_space<vmem>>) target_semaphore(%run_scoped3A : memref<!tpu.dma_semaphore, #tpu.memory_space<semaphore_mem>>)
      tpu.wait_dma2 semaphore(%run_scoped3A : memref<!tpu.dma_semaphore, #tpu.memory_space<semaphore_mem>>) src(%arg5 : memref<80xi32, #tpu.memory_space<hbm>>) dst(%arg14 : memref<80xi32, #tpu.memory_space<vmem>>)
      tpu.yield
    }) : () -> ()
    %lt3A = arith.constant 10 : i32
    %lt3A_3 = arith.cmpi slt, %arg1, %lt3A : i32
    %convert_element_type3A = arith.extui %lt3A_3 : i1 to i32
    %cond3A = arith.constant 0 : i32
    %cond3A_4 = arith.cmpi ne, %convert_element_type3A, %cond3A : i32
    scf.if %cond3A_4 {
      %mul3A_17 = arith.constant 8 : i32
      %mul3A_18 = arith.muli %arg1, %mul3A_17 : i32
      %mul3A_19 = arith.constant 8 : i32
      %mul3A_20 = arith.muli %arg1, %mul3A_19 : i32
      "tpu.region"() ({
        %run_scoped3A = tpu.sem_alloc : memref<!tpu.dma_semaphore, #tpu.memory_space<semaphore_mem>>
        %dma_start3A = arith.constant 0 : i32
        %dma_start3A_25 = tpu.memref_slice %arg10[%mul3A_18, %dma_start3A] : memref<80x128xf32, #tpu.memory_space<vmem>> -> memref<8x128xf32, #tpu.memory_space<vmem>>
        %dma_start3A_26 = arith.constant 0 : i32
        %dma_start3A_27 = tpu.memref_slice %arg8[%mul3A_20, %dma_start3A_26] : memref<80x128xf32, #tpu.memory_space<vmem_shared>> -> memref<8x128xf32, #tpu.memory_space<vmem_shared>>
        %dma_start3A_28 = arith.constant 0 : i32
        %dma_start3A_29 = tpu.memref_slice %arg8[%mul3A_20, %dma_start3A_28] : memref<80x128xf32, #tpu.memory_space<vmem_shared>> -> memref<8x128xf32, #tpu.memory_space<vmem_shared>>
        %dma_start3A_30 = arith.constant 0 : i32
        %dma_start3A_31 = tpu.memref_slice %arg10[%mul3A_18, %dma_start3A_30] : memref<80x128xf32, #tpu.memory_space<vmem>> -> memref<8x128xf32, #tpu.memory_space<vmem>>
        tpu.enqueue_dma source(%dma_start3A_31 : memref<8x128xf32, #tpu.memory_space<vmem>>) target(%dma_start3A_29 : memref<8x128xf32, #tpu.memory_space<vmem_shared>>) target_semaphore(%run_scoped3A : memref<!tpu.dma_semaphore, #tpu.memory_space<semaphore_mem>>)
        %dma_wait3A = arith.constant 0 : i32
        %dma_wait3A_32 = tpu.memref_slice %arg10[%mul3A_18, %dma_wait3A] : memref<80x128xf32, #tpu.memory_space<vmem>> -> memref<8x128xf32, #tpu.memory_space<vmem>>
        %dma_wait3A_33 = arith.constant 0 : i32
        %dma_wait3A_34 = tpu.memref_slice %arg8[%mul3A_20, %dma_wait3A_33] : memref<80x128xf32, #tpu.memory_space<vmem_shared>> -> memref<8x128xf32, #tpu.memory_space<vmem_shared>>
        %dma_wait3A_35 = arith.constant 0 : i32
        %dma_wait3A_36 = tpu.memref_slice %arg8[%mul3A_20, %dma_wait3A_35] : memref<80x128xf32, #tpu.memory_space<vmem_shared>> -> memref<8x128xf32, #tpu.memory_space<vmem_shared>>
        %dma_wait3A_37 = arith.constant 0 : i32
        %dma_wait3A_38 = tpu.memref_slice %arg10[%mul3A_18, %dma_wait3A_37] : memref<80x128xf32, #tpu.memory_space<vmem>> -> memref<8x128xf32, #tpu.memory_space<vmem>>
        tpu.wait_dma2 semaphore(%run_scoped3A : memref<!tpu.dma_semaphore, #tpu.memory_space<semaphore_mem>>) src(%dma_wait3A_38 : memref<8x128xf32, #tpu.memory_space<vmem>>) dst(%dma_wait3A_36 : memref<8x128xf32, #tpu.memory_space<vmem_shared>>)
        tpu.yield
      }) : () -> ()
      %mul3A_21 = arith.constant 8 : i32
      %mul3A_22 = arith.muli %arg1, %mul3A_21 : i32
      %mul3A_23 = arith.constant 8 : i32
      %mul3A_24 = arith.muli %arg1, %mul3A_23 : i32
      "tpu.region"() ({
        %run_scoped3A = tpu.sem_alloc : memref<!tpu.dma_semaphore, #tpu.memory_space<semaphore_mem>>
        %dma_start3A = arith.constant 0 : i32
        %dma_start3A_25 = tpu.memref_slice %arg11[%mul3A_22, %dma_start3A] : memref<80x128xf32, #tpu.memory_space<vmem>> -> memref<8x128xf32, #tpu.memory_space<vmem>>
        %dma_start3A_26 = arith.constant 0 : i32
        %dma_start3A_27 = tpu.memref_slice %arg9[%mul3A_24, %dma_start3A_26] : memref<80x128xf32, #tpu.memory_space<vmem_shared>> -> memref<8x128xf32, #tpu.memory_space<vmem_shared>>
        %dma_start3A_28 = arith.constant 0 : i32
        %dma_start3A_29 = tpu.memref_slice %arg9[%mul3A_24, %dma_start3A_28] : memref<80x128xf32, #tpu.memory_space<vmem_shared>> -> memref<8x128xf32, #tpu.memory_space<vmem_shared>>
        %dma_start3A_30 = arith.constant 0 : i32
        %dma_start3A_31 = tpu.memref_slice %arg11[%mul3A_22, %dma_start3A_30] : memref<80x128xf32, #tpu.memory_space<vmem>> -> memref<8x128xf32, #tpu.memory_space<vmem>>
        tpu.enqueue_dma source(%dma_start3A_31 : memref<8x128xf32, #tpu.memory_space<vmem>>) target(%dma_start3A_29 : memref<8x128xf32, #tpu.memory_space<vmem_shared>>) target_semaphore(%run_scoped3A : memref<!tpu.dma_semaphore, #tpu.memory_space<semaphore_mem>>)
        %dma_wait3A = arith.constant 0 : i32
        %dma_wait3A_32 = tpu.memref_slice %arg11[%mul3A_22, %dma_wait3A] : memref<80x128xf32, #tpu.memory_space<vmem>> -> memref<8x128xf32, #tpu.memory_space<vmem>>
        %dma_wait3A_33 = arith.constant 0 : i32
        %dma_wait3A_34 = tpu.memref_slice %arg9[%mul3A_24, %dma_wait3A_33] : memref<80x128xf32, #tpu.memory_space<vmem_shared>> -> memref<8x128xf32, #tpu.memory_space<vmem_shared>>
        %dma_wait3A_35 = arith.constant 0 : i32
        %dma_wait3A_36 = tpu.memref_slice %arg9[%mul3A_24, %dma_wait3A_35] : memref<80x128xf32, #tpu.memory_space<vmem_shared>> -> memref<8x128xf32, #tpu.memory_space<vmem_shared>>
        %dma_wait3A_37 = arith.constant 0 : i32
        %dma_wait3A_38 = tpu.memref_slice %arg11[%mul3A_22, %dma_wait3A_37] : memref<80x128xf32, #tpu.memory_space<vmem>> -> memref<8x128xf32, #tpu.memory_space<vmem>>
        tpu.wait_dma2 semaphore(%run_scoped3A : memref<!tpu.dma_semaphore, #tpu.memory_space<semaphore_mem>>) src(%dma_wait3A_38 : memref<8x128xf32, #tpu.memory_space<vmem>>) dst(%dma_wait3A_36 : memref<8x128xf32, #tpu.memory_space<vmem_shared>>)
        tpu.yield
      }) : () -> ()
    } else {
    }
    %broadcast_in_dim3A = arith.constant 1.000000e+00 : f32
    %broadcast_in_dim3A_5 = vector.broadcast %broadcast_in_dim3A : f32 to vector<16xf32>
    %scan3A = arith.constant 0 : i32
    %scan3A_6 = arith.constant 0 : i32
    %scan3A_7 = arith.constant 5 : i32
    %scan3A_8 = arith.addi %scan3A_6, %scan3A_7 : i32
    %scan3A_9 = arith.constant 1 : i32
    scf.for %scan3A_17 = %scan3A_6 to %scan3A_8 step %scan3A_9  : i32 {
      %mul3A_18 = arith.constant 16 : i32
      %mul3A_19 = arith.muli %scan3A_17, %mul3A_18 : i32
      %add3A_20 = arith.addi %mul3A_2, %mul3A_19 : i32
      "tpu.region"() ({
        %run_scoped3A = tpu.sem_alloc : memref<!tpu.dma_semaphore, #tpu.memory_space<semaphore_mem>>
        %dma_start3A = arith.constant 0 : i32
        %dma_start3A_30 = tpu.memref_slice %arg2[%add3A_20, %dma_start3A] : memref<2560x128xi32, #tpu.memory_space<hbm>> -> memref<16x128xi32, #tpu.memory_space<hbm>>
        %dma_start3A_31 = arith.constant 0 : i32
        %dma_start3A_32 = tpu.memref_slice %arg2[%add3A_20, %dma_start3A_31] : memref<2560x128xi32, #tpu.memory_space<hbm>> -> memref<16x128xi32, #tpu.memory_space<hbm>>
        tpu.enqueue_dma source(%dma_start3A_32 : memref<16x128xi32, #tpu.memory_space<hbm>>) target(%arg12 : memref<16x128xi32, #tpu.memory_space<vmem>>) target_semaphore(%run_scoped3A : memref<!tpu.dma_semaphore, #tpu.memory_space<semaphore_mem>>)
        %dma_wait3A = arith.constant 0 : i32
        %dma_wait3A_33 = tpu.memref_slice %arg2[%add3A_20, %dma_wait3A] : memref<2560x128xi32, #tpu.memory_space<hbm>> -> memref<16x128xi32, #tpu.memory_space<hbm>>
        %dma_wait3A_34 = arith.constant 0 : i32
        %dma_wait3A_35 = tpu.memref_slice %arg2[%add3A_20, %dma_wait3A_34] : memref<2560x128xi32, #tpu.memory_space<hbm>> -> memref<16x128xi32, #tpu.memory_space<hbm>>
        tpu.wait_dma2 semaphore(%run_scoped3A : memref<!tpu.dma_semaphore, #tpu.memory_space<semaphore_mem>>) src(%dma_wait3A_35 : memref<16x128xi32, #tpu.memory_space<hbm>>) dst(%arg12 : memref<16x128xi32, #tpu.memory_space<vmem>>)
        tpu.yield
      }) : () -> ()
      %mul3A_21 = arith.constant 16 : i32
      %mul3A_22 = arith.muli %scan3A_17, %mul3A_21 : i32
      %add3A_23 = arith.addi %mul3A_2, %mul3A_22 : i32
      "tpu.region"() ({
        %run_scoped3A = tpu.sem_alloc : memref<!tpu.dma_semaphore, #tpu.memory_space<semaphore_mem>>
        %dma_start3A = arith.constant 0 : i32
        %dma_start3A_30 = tpu.memref_slice %arg3[%add3A_23, %dma_start3A] : memref<2560x128xi32, #tpu.memory_space<hbm>> -> memref<16x128xi32, #tpu.memory_space<hbm>>
        %dma_start3A_31 = arith.constant 0 : i32
        %dma_start3A_32 = tpu.memref_slice %arg3[%add3A_23, %dma_start3A_31] : memref<2560x128xi32, #tpu.memory_space<hbm>> -> memref<16x128xi32, #tpu.memory_space<hbm>>
        tpu.enqueue_dma source(%dma_start3A_32 : memref<16x128xi32, #tpu.memory_space<hbm>>) target(%arg13 : memref<16x128xi32, #tpu.memory_space<vmem>>) target_semaphore(%run_scoped3A : memref<!tpu.dma_semaphore, #tpu.memory_space<semaphore_mem>>)
        %dma_wait3A = arith.constant 0 : i32
        %dma_wait3A_33 = tpu.memref_slice %arg3[%add3A_23, %dma_wait3A] : memref<2560x128xi32, #tpu.memory_space<hbm>> -> memref<16x128xi32, #tpu.memory_space<hbm>>
        %dma_wait3A_34 = arith.constant 0 : i32
        %dma_wait3A_35 = tpu.memref_slice %arg3[%add3A_23, %dma_wait3A_34] : memref<2560x128xi32, #tpu.memory_space<hbm>> -> memref<16x128xi32, #tpu.memory_space<hbm>>
        tpu.wait_dma2 semaphore(%run_scoped3A : memref<!tpu.dma_semaphore, #tpu.memory_space<semaphore_mem>>) src(%dma_wait3A_35 : memref<16x128xi32, #tpu.memory_space<hbm>>) dst(%arg13 : memref<16x128xi32, #tpu.memory_space<vmem>>)
        tpu.yield
      }) : () -> ()
      %scan3A_24 = arith.constant 0 : i32
      %scan3A_25 = arith.constant 0 : i32
      %scan3A_26 = arith.constant 16 : i32
      %scan3A_27 = arith.addi %scan3A_25, %scan3A_26 : i32
      %scan3A_28 = arith.constant 1 : i32
      scf.for %scan3A_30 = %scan3A_25 to %scan3A_27 step %scan3A_28  : i32 {
        %get3A = arith.index_cast %scan3A_30 : i32 to index
        %get3A_31 = arith.constant 0 : index
        %get3A_32 = tpu.vector_load %arg12[%get3A, %get3A_31] {strides = array<i32>} : memref<16x128xi32, #tpu.memory_space<vmem>>, vector<16xi32>,
        %shift_right_logical3A = arith.constant 7 : i32
        %shift_right_logical3A_33 = vector.broadcast %shift_right_logical3A : i32 to vector<16xi32>
        %shift_right_logical3A_34 = arith.shrui %get3A_32, %shift_right_logical3A_33 : vector<16xi32>
        %and3A = arith.constant 127 : i32
        %and3A_35 = vector.broadcast %and3A : i32 to vector<16xi32>
        %and3A_36 = arith.andi %get3A_32, %and3A_35 : vector<16xi32>
        tpu.vector_store_idx %arg10[%shift_right_logical3A_34, %and3A_36], %broadcast_in_dim3A_5 {add = true} : memref<80x128xf32, #tpu.memory_space<vmem>>[vector<16xi32>, vector<16xi32>], vector<16xf32>,
        %get3A_37 = arith.index_cast %scan3A_30 : i32 to index
        %get3A_38 = arith.constant 0 : index
        %get3A_39 = tpu.vector_load %arg13[%get3A_37, %get3A_38] {strides = array<i32>} : memref<16x128xi32, #tpu.memory_space<vmem>>, vector<16xi32>,
        %shift_right_logical3A_40 = arith.constant 7 : i32
        %shift_right_logical3A_41 = vector.broadcast %shift_right_logical3A_40 : i32 to vector<16xi32>
        %shift_right_logical3A_42 = arith.shrui %get3A_39, %shift_right_logical3A_41 : vector<16xi32>
        %and3A_43 = arith.constant 127 : i32
        %and3A_44 = vector.broadcast %and3A_43 : i32 to vector<16xi32>
        %and3A_45 = arith.andi %get3A_39, %and3A_44 : vector<16xi32>
        tpu.vector_store_idx %arg11[%shift_right_logical3A_42, %and3A_45], %broadcast_in_dim3A_5 {add = true} : memref<80x128xf32, #tpu.memory_space<vmem>>[vector<16xi32>, vector<16xi32>], vector<16xf32>,
        %get3A_46 = arith.index_cast %scan3A_30 : i32 to index
        %get3A_47 = arith.constant 16 : index
        %get3A_48 = tpu.vector_load %arg12[%get3A_46, %get3A_47] {strides = array<i32>} : memref<16x128xi32, #tpu.memory_space<vmem>>, vector<16xi32>,
        %shift_right_logical3A_49 = arith.constant 7 : i32
        %shift_right_logical3A_50 = vector.broadcast %shift_right_logical3A_49 : i32 to vector<16xi32>
        %shift_right_logical3A_51 = arith.shrui %get3A_48, %shift_right_logical3A_50 : vector<16xi32>
        %and3A_52 = arith.constant 127 : i32
        %and3A_53 = vector.broadcast %and3A_52 : i32 to vector<16xi32>
        %and3A_54 = arith.andi %get3A_48, %and3A_53 : vector<16xi32>
        tpu.vector_store_idx %arg10[%shift_right_logical3A_51, %and3A_54], %broadcast_in_dim3A_5 {add = true} : memref<80x128xf32, #tpu.memory_space<vmem>>[vector<16xi32>, vector<16xi32>], vector<16xf32>,
        %get3A_55 = arith.index_cast %scan3A_30 : i32 to index
        %get3A_56 = arith.constant 16 : index
        %get3A_57 = tpu.vector_load %arg13[%get3A_55, %get3A_56] {strides = array<i32>} : memref<16x128xi32, #tpu.memory_space<vmem>>, vector<16xi32>,
        %shift_right_logical3A_58 = arith.constant 7 : i32
        %shift_right_logical3A_59 = vector.broadcast %shift_right_logical3A_58 : i32 to vector<16xi32>
        %shift_right_logical3A_60 = arith.shrui %get3A_57, %shift_right_logical3A_59 : vector<16xi32>
        %and3A_61 = arith.constant 127 : i32
        %and3A_62 = vector.broadcast %and3A_61 : i32 to vector<16xi32>
        %and3A_63 = arith.andi %get3A_57, %and3A_62 : vector<16xi32>
        tpu.vector_store_idx %arg11[%shift_right_logical3A_60, %and3A_63], %broadcast_in_dim3A_5 {add = true} : memref<80x128xf32, #tpu.memory_space<vmem>>[vector<16xi32>, vector<16xi32>], vector<16xf32>,
        %get3A_64 = arith.index_cast %scan3A_30 : i32 to index
        %get3A_65 = arith.constant 32 : index
        %get3A_66 = tpu.vector_load %arg12[%get3A_64, %get3A_65] {strides = array<i32>} : memref<16x128xi32, #tpu.memory_space<vmem>>, vector<16xi32>,
        %shift_right_logical3A_67 = arith.constant 7 : i32
        %shift_right_logical3A_68 = vector.broadcast %shift_right_logical3A_67 : i32 to vector<16xi32>
        %shift_right_logical3A_69 = arith.shrui %get3A_66, %shift_right_logical3A_68 : vector<16xi32>
        %and3A_70 = arith.constant 127 : i32
        %and3A_71 = vector.broadcast %and3A_70 : i32 to vector<16xi32>
        %and3A_72 = arith.andi %get3A_66, %and3A_71 : vector<16xi32>
        tpu.vector_store_idx %arg10[%shift_right_logical3A_69, %and3A_72], %broadcast_in_dim3A_5 {add = true} : memref<80x128xf32, #tpu.memory_space<vmem>>[vector<16xi32>, vector<16xi32>], vector<16xf32>,
        %get3A_73 = arith.index_cast %scan3A_30 : i32 to index
        %get3A_74 = arith.constant 32 : index
        %get3A_75 = tpu.vector_load %arg13[%get3A_73, %get3A_74] {strides = array<i32>} : memref<16x128xi32, #tpu.memory_space<vmem>>, vector<16xi32>,
        %shift_right_logical3A_76 = arith.constant 7 : i32
        %shift_right_logical3A_77 = vector.broadcast %shift_right_logical3A_76 : i32 to vector<16xi32>
        %shift_right_logical3A_78 = arith.shrui %get3A_75, %shift_right_logical3A_77 : vector<16xi32>
        %and3A_79 = arith.constant 127 : i32
        %and3A_80 = vector.broadcast %and3A_79 : i32 to vector<16xi32>
        %and3A_81 = arith.andi %get3A_75, %and3A_80 : vector<16xi32>
        tpu.vector_store_idx %arg11[%shift_right_logical3A_78, %and3A_81], %broadcast_in_dim3A_5 {add = true} : memref<80x128xf32, #tpu.memory_space<vmem>>[vector<16xi32>, vector<16xi32>], vector<16xf32>,
        %get3A_82 = arith.index_cast %scan3A_30 : i32 to index
        %get3A_83 = arith.constant 48 : index
        %get3A_84 = tpu.vector_load %arg12[%get3A_82, %get3A_83] {strides = array<i32>} : memref<16x128xi32, #tpu.memory_space<vmem>>, vector<16xi32>,
        %shift_right_logical3A_85 = arith.constant 7 : i32
        %shift_right_logical3A_86 = vector.broadcast %shift_right_logical3A_85 : i32 to vector<16xi32>
        %shift_right_logical3A_87 = arith.shrui %get3A_84, %shift_right_logical3A_86 : vector<16xi32>
        %and3A_88 = arith.constant 127 : i32
        %and3A_89 = vector.broadcast %and3A_88 : i32 to vector<16xi32>
        %and3A_90 = arith.andi %get3A_84, %and3A_89 : vector<16xi32>
        tpu.vector_store_idx %arg10[%shift_right_logical3A_87, %and3A_90], %broadcast_in_dim3A_5 {add = true} : memref<80x128xf32, #tpu.memory_space<vmem>>[vector<16xi32>, vector<16xi32>], vector<16xf32>,
        %get3A_91 = arith.index_cast %scan3A_30 : i32 to index
        %get3A_92 = arith.constant 48 : index
        %get3A_93 = tpu.vector_load %arg13[%get3A_91, %get3A_92] {strides = array<i32>} : memref<16x128xi32, #tpu.memory_space<vmem>>, vector<16xi32>,
        %shift_right_logical3A_94 = arith.constant 7 : i32
        %shift_right_logical3A_95 = vector.broadcast %shift_right_logical3A_94 : i32 to vector<16xi32>
        %shift_right_logical3A_96 = arith.shrui %get3A_93, %shift_right_logical3A_95 : vector<16xi32>
        %and3A_97 = arith.constant 127 : i32
        %and3A_98 = vector.broadcast %and3A_97 : i32 to vector<16xi32>
        %and3A_99 = arith.andi %get3A_93, %and3A_98 : vector<16xi32>
        tpu.vector_store_idx %arg11[%shift_right_logical3A_96, %and3A_99], %broadcast_in_dim3A_5 {add = true} : memref<80x128xf32, #tpu.memory_space<vmem>>[vector<16xi32>, vector<16xi32>], vector<16xf32>,
        %get3A_100 = arith.index_cast %scan3A_30 : i32 to index
        %get3A_101 = arith.constant 64 : index
        %get3A_102 = tpu.vector_load %arg12[%get3A_100, %get3A_101] {strides = array<i32>} : memref<16x128xi32, #tpu.memory_space<vmem>>, vector<16xi32>,
        %shift_right_logical3A_103 = arith.constant 7 : i32
        %shift_right_logical3A_104 = vector.broadcast %shift_right_logical3A_103 : i32 to vector<16xi32>
        %shift_right_logical3A_105 = arith.shrui %get3A_102, %shift_right_logical3A_104 : vector<16xi32>
        %and3A_106 = arith.constant 127 : i32
        %and3A_107 = vector.broadcast %and3A_106 : i32 to vector<16xi32>
        %and3A_108 = arith.andi %get3A_102, %and3A_107 : vector<16xi32>
        tpu.vector_store_idx %arg10[%shift_right_logical3A_105, %and3A_108], %broadcast_in_dim3A_5 {add = true} : memref<80x128xf32, #tpu.memory_space<vmem>>[vector<16xi32>, vector<16xi32>], vector<16xf32>,
        %get3A_109 = arith.index_cast %scan3A_30 : i32 to index
        %get3A_110 = arith.constant 64 : index
        %get3A_111 = tpu.vector_load %arg13[%get3A_109, %get3A_110] {strides = array<i32>} : memref<16x128xi32, #tpu.memory_space<vmem>>, vector<16xi32>,
        %shift_right_logical3A_112 = arith.constant 7 : i32
        %shift_right_logical3A_113 = vector.broadcast %shift_right_logical3A_112 : i32 to vector<16xi32>
        %shift_right_logical3A_114 = arith.shrui %get3A_111, %shift_right_logical3A_113 : vector<16xi32>
        %and3A_115 = arith.constant 127 : i32
        %and3A_116 = vector.broadcast %and3A_115 : i32 to vector<16xi32>
        %and3A_117 = arith.andi %get3A_111, %and3A_116 : vector<16xi32>
        tpu.vector_store_idx %arg11[%shift_right_logical3A_114, %and3A_117], %broadcast_in_dim3A_5 {add = true} : memref<80x128xf32, #tpu.memory_space<vmem>>[vector<16xi32>, vector<16xi32>], vector<16xf32>,
        %get3A_118 = arith.index_cast %scan3A_30 : i32 to index
        %get3A_119 = arith.constant 80 : index
        %get3A_120 = tpu.vector_load %arg12[%get3A_118, %get3A_119] {strides = array<i32>} : memref<16x128xi32, #tpu.memory_space<vmem>>, vector<16xi32>,
        %shift_right_logical3A_121 = arith.constant 7 : i32
        %shift_right_logical3A_122 = vector.broadcast %shift_right_logical3A_121 : i32 to vector<16xi32>
        %shift_right_logical3A_123 = arith.shrui %get3A_120, %shift_right_logical3A_122 : vector<16xi32>
        %and3A_124 = arith.constant 127 : i32
        %and3A_125 = vector.broadcast %and3A_124 : i32 to vector<16xi32>
        %and3A_126 = arith.andi %get3A_120, %and3A_125 : vector<16xi32>
        tpu.vector_store_idx %arg10[%shift_right_logical3A_123, %and3A_126], %broadcast_in_dim3A_5 {add = true} : memref<80x128xf32, #tpu.memory_space<vmem>>[vector<16xi32>, vector<16xi32>], vector<16xf32>,
        %get3A_127 = arith.index_cast %scan3A_30 : i32 to index
        %get3A_128 = arith.constant 80 : index
        %get3A_129 = tpu.vector_load %arg13[%get3A_127, %get3A_128] {strides = array<i32>} : memref<16x128xi32, #tpu.memory_space<vmem>>, vector<16xi32>,
        %shift_right_logical3A_130 = arith.constant 7 : i32
        %shift_right_logical3A_131 = vector.broadcast %shift_right_logical3A_130 : i32 to vector<16xi32>
        %shift_right_logical3A_132 = arith.shrui %get3A_129, %shift_right_logical3A_131 : vector<16xi32>
        %and3A_133 = arith.constant 127 : i32
        %and3A_134 = vector.broadcast %and3A_133 : i32 to vector<16xi32>
        %and3A_135 = arith.andi %get3A_129, %and3A_134 : vector<16xi32>
        tpu.vector_store_idx %arg11[%shift_right_logical3A_132, %and3A_135], %broadcast_in_dim3A_5 {add = true} : memref<80x128xf32, #tpu.memory_space<vmem>>[vector<16xi32>, vector<16xi32>], vector<16xf32>,
        %get3A_136 = arith.index_cast %scan3A_30 : i32 to index
        %get3A_137 = arith.constant 96 : index
        %get3A_138 = tpu.vector_load %arg12[%get3A_136, %get3A_137] {strides = array<i32>} : memref<16x128xi32, #tpu.memory_space<vmem>>, vector<16xi32>,
        %shift_right_logical3A_139 = arith.constant 7 : i32
        %shift_right_logical3A_140 = vector.broadcast %shift_right_logical3A_139 : i32 to vector<16xi32>
        %shift_right_logical3A_141 = arith.shrui %get3A_138, %shift_right_logical3A_140 : vector<16xi32>
        %and3A_142 = arith.constant 127 : i32
        %and3A_143 = vector.broadcast %and3A_142 : i32 to vector<16xi32>
        %and3A_144 = arith.andi %get3A_138, %and3A_143 : vector<16xi32>
        tpu.vector_store_idx %arg10[%shift_right_logical3A_141, %and3A_144], %broadcast_in_dim3A_5 {add = true} : memref<80x128xf32, #tpu.memory_space<vmem>>[vector<16xi32>, vector<16xi32>], vector<16xf32>,
        %get3A_145 = arith.index_cast %scan3A_30 : i32 to index
        %get3A_146 = arith.constant 96 : index
        %get3A_147 = tpu.vector_load %arg13[%get3A_145, %get3A_146] {strides = array<i32>} : memref<16x128xi32, #tpu.memory_space<vmem>>, vector<16xi32>,
        %shift_right_logical3A_148 = arith.constant 7 : i32
        %shift_right_logical3A_149 = vector.broadcast %shift_right_logical3A_148 : i32 to vector<16xi32>
        %shift_right_logical3A_150 = arith.shrui %get3A_147, %shift_right_logical3A_149 : vector<16xi32>
        %and3A_151 = arith.constant 127 : i32
        %and3A_152 = vector.broadcast %and3A_151 : i32 to vector<16xi32>
        %and3A_153 = arith.andi %get3A_147, %and3A_152 : vector<16xi32>
        tpu.vector_store_idx %arg11[%shift_right_logical3A_150, %and3A_153], %broadcast_in_dim3A_5 {add = true} : memref<80x128xf32, #tpu.memory_space<vmem>>[vector<16xi32>, vector<16xi32>], vector<16xf32>,
        %get3A_154 = arith.index_cast %scan3A_30 : i32 to index
        %get3A_155 = arith.constant 112 : index
        %get3A_156 = tpu.vector_load %arg12[%get3A_154, %get3A_155] {strides = array<i32>} : memref<16x128xi32, #tpu.memory_space<vmem>>, vector<16xi32>,
        %shift_right_logical3A_157 = arith.constant 7 : i32
        %shift_right_logical3A_158 = vector.broadcast %shift_right_logical3A_157 : i32 to vector<16xi32>
        %shift_right_logical3A_159 = arith.shrui %get3A_156, %shift_right_logical3A_158 : vector<16xi32>
        %and3A_160 = arith.constant 127 : i32
        %and3A_161 = vector.broadcast %and3A_160 : i32 to vector<16xi32>
        %and3A_162 = arith.andi %get3A_156, %and3A_161 : vector<16xi32>
        tpu.vector_store_idx %arg10[%shift_right_logical3A_159, %and3A_162], %broadcast_in_dim3A_5 {add = true} : memref<80x128xf32, #tpu.memory_space<vmem>>[vector<16xi32>, vector<16xi32>], vector<16xf32>,
        %get3A_163 = arith.index_cast %scan3A_30 : i32 to index
        %get3A_164 = arith.constant 112 : index
        %get3A_165 = tpu.vector_load %arg13[%get3A_163, %get3A_164] {strides = array<i32>} : memref<16x128xi32, #tpu.memory_space<vmem>>, vector<16xi32>,
        %shift_right_logical3A_166 = arith.constant 7 : i32
        %shift_right_logical3A_167 = vector.broadcast %shift_right_logical3A_166 : i32 to vector<16xi32>
        %shift_right_logical3A_168 = arith.shrui %get3A_165, %shift_right_logical3A_167 : vector<16xi32>
        %and3A_169 = arith.constant 127 : i32
        %and3A_170 = vector.broadcast %and3A_169 : i32 to vector<16xi32>
        %and3A_171 = arith.andi %get3A_165, %and3A_170 : vector<16xi32>
        tpu.vector_store_idx %arg11[%shift_right_logical3A_168, %and3A_171], %broadcast_in_dim3A_5 {add = true} : memref<80x128xf32, #tpu.memory_space<vmem>>[vector<16xi32>, vector<16xi32>], vector<16xf32>,
      }
      %scan3A_29 = arith.constant 16 : i32
    }
    %scan3A_10 = arith.constant 5 : i32
    %barrier3A = arith.constant 0 : index
    tpu.barrier barrier_id(%barrier3A)
    "tpu.region"() ({
      %run_scoped3A = tpu.sem_alloc : memref<!tpu.dma_semaphore, #tpu.memory_space<semaphore_mem>>
      %dma_start3A = arith.constant 0 : i32
      %dma_start3A_17 = arith.constant 0 : i32
      %dma_start3A_18 = tpu.memref_slice %arg8[%dma_start3A, %dma_start3A_17] : memref<80x128xf32, #tpu.memory_space<vmem_shared>> -> memref<80x128xf32, #tpu.memory_space<vmem_shared>>
      tpu.enqueue_indirect_dma source(%arg10 : memref<80x128xf32, #tpu.memory_space<vmem>>) target(%dma_start3A_18 : memref<80x128xf32, #tpu.memory_space<vmem_shared>>) offsets(%arg14 : memref<80xi32, #tpu.memory_space<vmem>>) semaphore(%run_scoped3A : memref<!tpu.dma_semaphore, #tpu.memory_space<semaphore_mem>>) {add = true}
      %dma_wait3A = arith.constant 0 : i32
      %dma_wait3A_19 = arith.constant 0 : i32
      %dma_wait3A_20 = tpu.memref_slice %arg8[%dma_wait3A, %dma_wait3A_19] : memref<80x128xf32, #tpu.memory_space<vmem_shared>> -> memref<80x128xf32, #tpu.memory_space<vmem_shared>>
      tpu.wait_indirect_dma semaphore(%run_scoped3A : memref<!tpu.dma_semaphore, #tpu.memory_space<semaphore_mem>>) src(%arg10 : memref<80x128xf32, #tpu.memory_space<vmem>>) dst(%dma_wait3A_20 : memref<80x128xf32, #tpu.memory_space<vmem_shared>>)
      tpu.yield
    }) : () -> ()
    "tpu.region"() ({
      %run_scoped3A = tpu.sem_alloc : memref<!tpu.dma_semaphore, #tpu.memory_space<semaphore_mem>>
      %dma_start3A = arith.constant 0 : i32
      %dma_start3A_17 = arith.constant 0 : i32
      %dma_start3A_18 = tpu.memref_slice %arg9[%dma_start3A, %dma_start3A_17] : memref<80x128xf32, #tpu.memory_space<vmem_shared>> -> memref<80x128xf32, #tpu.memory_space<vmem_shared>>
      tpu.enqueue_indirect_dma source(%arg11 : memref<80x128xf32, #tpu.memory_space<vmem>>) target(%dma_start3A_18 : memref<80x128xf32, #tpu.memory_space<vmem_shared>>) offsets(%arg14 : memref<80xi32, #tpu.memory_space<vmem>>) semaphore(%run_scoped3A : memref<!tpu.dma_semaphore, #tpu.memory_space<semaphore_mem>>) {add = true}
      %dma_wait3A = arith.constant 0 : i32
      %dma_wait3A_19 = arith.constant 0 : i32
      %dma_wait3A_20 = tpu.memref_slice %arg9[%dma_wait3A, %dma_wait3A_19] : memref<80x128xf32, #tpu.memory_space<vmem_shared>> -> memref<80x128xf32, #tpu.memory_space<vmem_shared>>
      tpu.wait_indirect_dma semaphore(%run_scoped3A : memref<!tpu.dma_semaphore, #tpu.memory_space<semaphore_mem>>) src(%arg11 : memref<80x128xf32, #tpu.memory_space<vmem>>) dst(%dma_wait3A_20 : memref<80x128xf32, #tpu.memory_space<vmem_shared>>)
      tpu.yield
    }) : () -> ()
    %barrier3A_11 = arith.constant 0 : index
    tpu.barrier barrier_id(%barrier3A_11)
    %lt3A_12 = arith.constant 10 : i32
    %lt3A_13 = arith.cmpi slt, %arg1, %lt3A_12 : i32
    %convert_element_type3A_14 = arith.extui %lt3A_13 : i1 to i32
    %cond3A_15 = arith.constant 0 : i32
    %cond3A_16 = arith.cmpi ne, %convert_element_type3A_14, %cond3A_15 : i32
    scf.if %cond3A_16 {
      %mul3A_17 = arith.constant 8 : i32
      %mul3A_18 = arith.muli %arg1, %mul3A_17 : i32
      "tpu.region"() ({
        %run_scoped3A = tpu.sem_alloc : memref<!tpu.dma_semaphore, #tpu.memory_space<semaphore_mem>>
        %dma_start3A = arith.constant 0 : i32
        %dma_start3A_31 = tpu.memref_slice %arg8[%mul3A_18, %dma_start3A] : memref<80x128xf32, #tpu.memory_space<vmem_shared>> -> memref<8x128xf32, #tpu.memory_space<vmem_shared>>
        %dma_start3A_32 = arith.constant 0 : i32
        %dma_start3A_33 = tpu.memref_slice %arg8[%mul3A_18, %dma_start3A_32] : memref<80x128xf32, #tpu.memory_space<vmem_shared>> -> memref<8x128xf32, #tpu.memory_space<vmem_shared>>
        tpu.enqueue_dma source(%dma_start3A_33 : memref<8x128xf32, #tpu.memory_space<vmem_shared>>) target(%arg15 : memref<8x128xf32, #tpu.memory_space<vmem>>) target_semaphore(%run_scoped3A : memref<!tpu.dma_semaphore, #tpu.memory_space<semaphore_mem>>)
        %dma_wait3A = arith.constant 0 : i32
        %dma_wait3A_34 = tpu.memref_slice %arg8[%mul3A_18, %dma_wait3A] : memref<80x128xf32, #tpu.memory_space<vmem_shared>> -> memref<8x128xf32, #tpu.memory_space<vmem_shared>>
        %dma_wait3A_35 = arith.constant 0 : i32
        %dma_wait3A_36 = tpu.memref_slice %arg8[%mul3A_18, %dma_wait3A_35] : memref<80x128xf32, #tpu.memory_space<vmem_shared>> -> memref<8x128xf32, #tpu.memory_space<vmem_shared>>
        tpu.wait_dma2 semaphore(%run_scoped3A : memref<!tpu.dma_semaphore, #tpu.memory_space<semaphore_mem>>) src(%dma_wait3A_36 : memref<8x128xf32, #tpu.memory_space<vmem_shared>>) dst(%arg15 : memref<8x128xf32, #tpu.memory_space<vmem>>)
        tpu.yield
      }) : () -> ()
      %mul3A_19 = arith.constant 80 : i32
      %mul3A_20 = arith.muli %arg0, %mul3A_19 : i32
      %mul3A_21 = arith.constant 8 : i32
      %mul3A_22 = arith.muli %arg1, %mul3A_21 : i32
      %add3A_23 = arith.addi %mul3A_20, %mul3A_22 : i32
      "tpu.region"() ({
        %run_scoped3A = tpu.sem_alloc : memref<!tpu.dma_semaphore, #tpu.memory_space<semaphore_mem>>
        %dma_start3A = arith.constant 0 : i32
        %dma_start3A_31 = tpu.memref_slice %arg6[%add3A_23, %dma_start3A] : memref<160x128xf32, #tpu.memory_space<hbm>> -> memref<8x128xf32, #tpu.memory_space<hbm>>
        %dma_start3A_32 = arith.constant 0 : i32
        %dma_start3A_33 = tpu.memref_slice %arg6[%add3A_23, %dma_start3A_32] : memref<160x128xf32, #tpu.memory_space<hbm>> -> memref<8x128xf32, #tpu.memory_space<hbm>>
        tpu.enqueue_dma source(%arg15 : memref<8x128xf32, #tpu.memory_space<vmem>>) target(%dma_start3A_33 : memref<8x128xf32, #tpu.memory_space<hbm>>) target_semaphore(%run_scoped3A : memref<!tpu.dma_semaphore, #tpu.memory_space<semaphore_mem>>)
        %dma_wait3A = arith.constant 0 : i32
        %dma_wait3A_34 = tpu.memref_slice %arg6[%add3A_23, %dma_wait3A] : memref<160x128xf32, #tpu.memory_space<hbm>> -> memref<8x128xf32, #tpu.memory_space<hbm>>
        %dma_wait3A_35 = arith.constant 0 : i32
        %dma_wait3A_36 = tpu.memref_slice %arg6[%add3A_23, %dma_wait3A_35] : memref<160x128xf32, #tpu.memory_space<hbm>> -> memref<8x128xf32, #tpu.memory_space<hbm>>
        tpu.wait_dma2 semaphore(%run_scoped3A : memref<!tpu.dma_semaphore, #tpu.memory_space<semaphore_mem>>) src(%arg15 : memref<8x128xf32, #tpu.memory_space<vmem>>) dst(%dma_wait3A_36 : memref<8x128xf32, #tpu.memory_space<hbm>>)
        tpu.yield
      }) : () -> ()
      %mul3A_24 = arith.constant 8 : i32
      %mul3A_25 = arith.muli %arg1, %mul3A_24 : i32
      "tpu.region"() ({
        %run_scoped3A = tpu.sem_alloc : memref<!tpu.dma_semaphore, #tpu.memory_space<semaphore_mem>>
        %dma_start3A = arith.constant 0 : i32
        %dma_start3A_31 = tpu.memref_slice %arg9[%mul3A_25, %dma_start3A] : memref<80x128xf32, #tpu.memory_space<vmem_shared>> -> memref<8x128xf32, #tpu.memory_space<vmem_shared>>
        %dma_start3A_32 = arith.constant 0 : i32
        %dma_start3A_33 = tpu.memref_slice %arg9[%mul3A_25, %dma_start3A_32] : memref<80x128xf32, #tpu.memory_space<vmem_shared>> -> memref<8x128xf32, #tpu.memory_space<vmem_shared>>
        tpu.enqueue_dma source(%dma_start3A_33 : memref<8x128xf32, #tpu.memory_space<vmem_shared>>) target(%arg15 : memref<8x128xf32, #tpu.memory_space<vmem>>) target_semaphore(%run_scoped3A : memref<!tpu.dma_semaphore, #tpu.memory_space<semaphore_mem>>)
        %dma_wait3A = arith.constant 0 : i32
        %dma_wait3A_34 = tpu.memref_slice %arg9[%mul3A_25, %dma_wait3A] : memref<80x128xf32, #tpu.memory_space<vmem_shared>> -> memref<8x128xf32, #tpu.memory_space<vmem_shared>>
        %dma_wait3A_35 = arith.constant 0 : i32
        %dma_wait3A_36 = tpu.memref_slice %arg9[%mul3A_25, %dma_wait3A_35] : memref<80x128xf32, #tpu.memory_space<vmem_shared>> -> memref<8x128xf32, #tpu.memory_space<vmem_shared>>
        tpu.wait_dma2 semaphore(%run_scoped3A : memref<!tpu.dma_semaphore, #tpu.memory_space<semaphore_mem>>) src(%dma_wait3A_36 : memref<8x128xf32, #tpu.memory_space<vmem_shared>>) dst(%arg15 : memref<8x128xf32, #tpu.memory_space<vmem>>)
        tpu.yield
      }) : () -> ()
      %mul3A_26 = arith.constant 80 : i32
      %mul3A_27 = arith.muli %arg0, %mul3A_26 : i32
      %mul3A_28 = arith.constant 8 : i32
      %mul3A_29 = arith.muli %arg1, %mul3A_28 : i32
      %add3A_30 = arith.addi %mul3A_27, %mul3A_29 : i32
      "tpu.region"() ({
        %run_scoped3A = tpu.sem_alloc : memref<!tpu.dma_semaphore, #tpu.memory_space<semaphore_mem>>
        %dma_start3A = arith.constant 0 : i32
        %dma_start3A_31 = tpu.memref_slice %arg7[%add3A_30, %dma_start3A] : memref<160x128xf32, #tpu.memory_space<hbm>> -> memref<8x128xf32, #tpu.memory_space<hbm>>
        %dma_start3A_32 = arith.constant 0 : i32
        %dma_start3A_33 = tpu.memref_slice %arg7[%add3A_30, %dma_start3A_32] : memref<160x128xf32, #tpu.memory_space<hbm>> -> memref<8x128xf32, #tpu.memory_space<hbm>>
        tpu.enqueue_dma source(%arg15 : memref<8x128xf32, #tpu.memory_space<vmem>>) target(%dma_start3A_33 : memref<8x128xf32, #tpu.memory_space<hbm>>) target_semaphore(%run_scoped3A : memref<!tpu.dma_semaphore, #tpu.memory_space<semaphore_mem>>)
        %dma_wait3A = arith.constant 0 : i32
        %dma_wait3A_34 = tpu.memref_slice %arg7[%add3A_30, %dma_wait3A] : memref<160x128xf32, #tpu.memory_space<hbm>> -> memref<8x128xf32, #tpu.memory_space<hbm>>
        %dma_wait3A_35 = arith.constant 0 : i32
        %dma_wait3A_36 = tpu.memref_slice %arg7[%add3A_30, %dma_wait3A_35] : memref<160x128xf32, #tpu.memory_space<hbm>> -> memref<8x128xf32, #tpu.memory_space<hbm>>
        tpu.wait_dma2 semaphore(%run_scoped3A : memref<!tpu.dma_semaphore, #tpu.memory_space<semaphore_mem>>) src(%arg15 : memref<8x128xf32, #tpu.memory_space<vmem>>) dst(%dma_wait3A_36 : memref<8x128xf32, #tpu.memory_space<hbm>>)
        tpu.yield
      }) : () -> ()
    } else {
    }
    return
  }
}

#map = affine_map<(d0, d1) -> (0, 0)>
module attributes {stable_mosaic.version = 14 : i64} {
  func.func @_edge_body(%arg0: i32, %arg1: i32, %arg2: memref<2560x128xi32, #tpu.memory_space<hbm>>, %arg3: memref<2560x128xi32, #tpu.memory_space<hbm>>, %arg4: memref<10240x128xf32, #tpu.memory_space<hbm>>, %arg5: memref<128x128xf32, #tpu.memory_space<hbm>>, %arg6: memref<20480x128xf32, #tpu.memory_space<hbm>>, %arg7: memref<10240x128xf32, #tpu.memory_space<vmem_shared>>, %arg8: memref<16x128xi32, #tpu.memory_space<vmem>>, %arg9: memref<16x128xi32, #tpu.memory_space<vmem>>, %arg10: memref<128x128xf32, #tpu.memory_space<vmem>>, %arg11: memref<128x128xf32, #tpu.memory_space<vmem>>, %arg12: memref<!tpu.dma_semaphore, #tpu.memory_space<semaphore_mem>>, %arg13: memref<!tpu.dma_semaphore, #tpu.memory_space<semaphore_mem>>) attributes {dimension_semantics = [#tpu.dimension_semantics<core_parallel>, #tpu.dimension_semantics<subcore_parallel>], iteration_bounds = array<i64: 2, 16>, scalar_prefetch = 0 : i64, scratch_operands = 7 : i64, tpu.core_type = #tpu.core_type<sc_vector_subcore>, window_params = [{transform_indices = #map}, {transform_indices = #map}, {transform_indices = #map}, {transform_indices = #map}, {transform_indices = #map}]} {
    %mul3A = arith.constant 16 : i32
    %mul3A_0 = arith.muli %arg0, %mul3A : i32
    %add3A = arith.addi %mul3A_0, %arg1 : i32
    %mul3A_1 = arith.constant 80 : i32
    %mul3A_2 = arith.muli %add3A, %mul3A_1 : i32
    "tpu.region"() ({
      %run_scoped3A = tpu.sem_alloc : memref<!tpu.dma_semaphore, #tpu.memory_space<semaphore_mem>>
      tpu.enqueue_dma source(%arg5 : memref<128x128xf32, #tpu.memory_space<hbm>>) target(%arg10 : memref<128x128xf32, #tpu.memory_space<vmem>>) target_semaphore(%run_scoped3A : memref<!tpu.dma_semaphore, #tpu.memory_space<semaphore_mem>>)
      tpu.wait_dma2 semaphore(%run_scoped3A : memref<!tpu.dma_semaphore, #tpu.memory_space<semaphore_mem>>) src(%arg5 : memref<128x128xf32, #tpu.memory_space<hbm>>) dst(%arg10 : memref<128x128xf32, #tpu.memory_space<vmem>>)
      tpu.yield
    }) : () -> ()
    %mul3A_3 = arith.constant 640 : i32
    %mul3A_4 = arith.muli %arg1, %mul3A_3 : i32
    %add3A_5 = arith.constant 0 : i32
    %add3A_6 = arith.addi %mul3A_4, %add3A_5 : i32
    "tpu.region"() ({
      %run_scoped3A = tpu.sem_alloc : memref<!tpu.dma_semaphore, #tpu.memory_space<semaphore_mem>>
      %dma_start3A = arith.constant 0 : i32
      %dma_start3A_84 = tpu.memref_slice %arg7[%add3A_6, %dma_start3A] : memref<10240x128xf32, #tpu.memory_space<vmem_shared>> -> memref<128x128xf32, #tpu.memory_space<vmem_shared>>
      %dma_start3A_85 = arith.constant 0 : i32
      %dma_start3A_86 = tpu.memref_slice %arg7[%add3A_6, %dma_start3A_85] : memref<10240x128xf32, #tpu.memory_space<vmem_shared>> -> memref<128x128xf32, #tpu.memory_space<vmem_shared>>
      tpu.enqueue_dma source(%arg10 : memref<128x128xf32, #tpu.memory_space<vmem>>) target(%dma_start3A_86 : memref<128x128xf32, #tpu.memory_space<vmem_shared>>) target_semaphore(%run_scoped3A : memref<!tpu.dma_semaphore, #tpu.memory_space<semaphore_mem>>)
      %dma_wait3A = arith.constant 0 : i32
      %dma_wait3A_87 = tpu.memref_slice %arg7[%add3A_6, %dma_wait3A] : memref<10240x128xf32, #tpu.memory_space<vmem_shared>> -> memref<128x128xf32, #tpu.memory_space<vmem_shared>>
      %dma_wait3A_88 = arith.constant 0 : i32
      %dma_wait3A_89 = tpu.memref_slice %arg7[%add3A_6, %dma_wait3A_88] : memref<10240x128xf32, #tpu.memory_space<vmem_shared>> -> memref<128x128xf32, #tpu.memory_space<vmem_shared>>
      tpu.wait_dma2 semaphore(%run_scoped3A : memref<!tpu.dma_semaphore, #tpu.memory_space<semaphore_mem>>) src(%arg10 : memref<128x128xf32, #tpu.memory_space<vmem>>) dst(%dma_wait3A_89 : memref<128x128xf32, #tpu.memory_space<vmem_shared>>)
      tpu.yield
    }) : () -> ()
    %mul3A_7 = arith.constant 640 : i32
    %mul3A_8 = arith.muli %arg1, %mul3A_7 : i32
    %add3A_9 = arith.constant 128 : i32
    %add3A_10 = arith.addi %mul3A_8, %add3A_9 : i32
    "tpu.region"() ({
      %run_scoped3A = tpu.sem_alloc : memref<!tpu.dma_semaphore, #tpu.memory_space<semaphore_mem>>
      %dma_start3A = arith.constant 0 : i32
      %dma_start3A_84 = tpu.memref_slice %arg7[%add3A_10, %dma_start3A] : memref<10240x128xf32, #tpu.memory_space<vmem_shared>> -> memref<128x128xf32, #tpu.memory_space<vmem_shared>>
      %dma_start3A_85 = arith.constant 0 : i32
      %dma_start3A_86 = tpu.memref_slice %arg7[%add3A_10, %dma_start3A_85] : memref<10240x128xf32, #tpu.memory_space<vmem_shared>> -> memref<128x128xf32, #tpu.memory_space<vmem_shared>>
      tpu.enqueue_dma source(%arg10 : memref<128x128xf32, #tpu.memory_space<vmem>>) target(%dma_start3A_86 : memref<128x128xf32, #tpu.memory_space<vmem_shared>>) target_semaphore(%run_scoped3A : memref<!tpu.dma_semaphore, #tpu.memory_space<semaphore_mem>>)
      %dma_wait3A = arith.constant 0 : i32
      %dma_wait3A_87 = tpu.memref_slice %arg7[%add3A_10, %dma_wait3A] : memref<10240x128xf32, #tpu.memory_space<vmem_shared>> -> memref<128x128xf32, #tpu.memory_space<vmem_shared>>
      %dma_wait3A_88 = arith.constant 0 : i32
      %dma_wait3A_89 = tpu.memref_slice %arg7[%add3A_10, %dma_wait3A_88] : memref<10240x128xf32, #tpu.memory_space<vmem_shared>> -> memref<128x128xf32, #tpu.memory_space<vmem_shared>>
      tpu.wait_dma2 semaphore(%run_scoped3A : memref<!tpu.dma_semaphore, #tpu.memory_space<semaphore_mem>>) src(%arg10 : memref<128x128xf32, #tpu.memory_space<vmem>>) dst(%dma_wait3A_89 : memref<128x128xf32, #tpu.memory_space<vmem_shared>>)
      tpu.yield
    }) : () -> ()
    %mul3A_11 = arith.constant 640 : i32
    %mul3A_12 = arith.muli %arg1, %mul3A_11 : i32
    %add3A_13 = arith.constant 256 : i32
    %add3A_14 = arith.addi %mul3A_12, %add3A_13 : i32
    "tpu.region"() ({
      %run_scoped3A = tpu.sem_alloc : memref<!tpu.dma_semaphore, #tpu.memory_space<semaphore_mem>>
      %dma_start3A = arith.constant 0 : i32
      %dma_start3A_84 = tpu.memref_slice %arg7[%add3A_14, %dma_start3A] : memref<10240x128xf32, #tpu.memory_space<vmem_shared>> -> memref<128x128xf32, #tpu.memory_space<vmem_shared>>
      %dma_start3A_85 = arith.constant 0 : i32
      %dma_start3A_86 = tpu.memref_slice %arg7[%add3A_14, %dma_start3A_85] : memref<10240x128xf32, #tpu.memory_space<vmem_shared>> -> memref<128x128xf32, #tpu.memory_space<vmem_shared>>
      tpu.enqueue_dma source(%arg10 : memref<128x128xf32, #tpu.memory_space<vmem>>) target(%dma_start3A_86 : memref<128x128xf32, #tpu.memory_space<vmem_shared>>) target_semaphore(%run_scoped3A : memref<!tpu.dma_semaphore, #tpu.memory_space<semaphore_mem>>)
      %dma_wait3A = arith.constant 0 : i32
      %dma_wait3A_87 = tpu.memref_slice %arg7[%add3A_14, %dma_wait3A] : memref<10240x128xf32, #tpu.memory_space<vmem_shared>> -> memref<128x128xf32, #tpu.memory_space<vmem_shared>>
      %dma_wait3A_88 = arith.constant 0 : i32
      %dma_wait3A_89 = tpu.memref_slice %arg7[%add3A_14, %dma_wait3A_88] : memref<10240x128xf32, #tpu.memory_space<vmem_shared>> -> memref<128x128xf32, #tpu.memory_space<vmem_shared>>
      tpu.wait_dma2 semaphore(%run_scoped3A : memref<!tpu.dma_semaphore, #tpu.memory_space<semaphore_mem>>) src(%arg10 : memref<128x128xf32, #tpu.memory_space<vmem>>) dst(%dma_wait3A_89 : memref<128x128xf32, #tpu.memory_space<vmem_shared>>)
      tpu.yield
    }) : () -> ()
    %mul3A_15 = arith.constant 640 : i32
    %mul3A_16 = arith.muli %arg1, %mul3A_15 : i32
    %add3A_17 = arith.constant 384 : i32
    %add3A_18 = arith.addi %mul3A_16, %add3A_17 : i32
    "tpu.region"() ({
      %run_scoped3A = tpu.sem_alloc : memref<!tpu.dma_semaphore, #tpu.memory_space<semaphore_mem>>
      %dma_start3A = arith.constant 0 : i32
      %dma_start3A_84 = tpu.memref_slice %arg7[%add3A_18, %dma_start3A] : memref<10240x128xf32, #tpu.memory_space<vmem_shared>> -> memref<128x128xf32, #tpu.memory_space<vmem_shared>>
      %dma_start3A_85 = arith.constant 0 : i32
      %dma_start3A_86 = tpu.memref_slice %arg7[%add3A_18, %dma_start3A_85] : memref<10240x128xf32, #tpu.memory_space<vmem_shared>> -> memref<128x128xf32, #tpu.memory_space<vmem_shared>>
      tpu.enqueue_dma source(%arg10 : memref<128x128xf32, #tpu.memory_space<vmem>>) target(%dma_start3A_86 : memref<128x128xf32, #tpu.memory_space<vmem_shared>>) target_semaphore(%run_scoped3A : memref<!tpu.dma_semaphore, #tpu.memory_space<semaphore_mem>>)
      %dma_wait3A = arith.constant 0 : i32
      %dma_wait3A_87 = tpu.memref_slice %arg7[%add3A_18, %dma_wait3A] : memref<10240x128xf32, #tpu.memory_space<vmem_shared>> -> memref<128x128xf32, #tpu.memory_space<vmem_shared>>
      %dma_wait3A_88 = arith.constant 0 : i32
      %dma_wait3A_89 = tpu.memref_slice %arg7[%add3A_18, %dma_wait3A_88] : memref<10240x128xf32, #tpu.memory_space<vmem_shared>> -> memref<128x128xf32, #tpu.memory_space<vmem_shared>>
      tpu.wait_dma2 semaphore(%run_scoped3A : memref<!tpu.dma_semaphore, #tpu.memory_space<semaphore_mem>>) src(%arg10 : memref<128x128xf32, #tpu.memory_space<vmem>>) dst(%dma_wait3A_89 : memref<128x128xf32, #tpu.memory_space<vmem_shared>>)
      tpu.yield
    }) : () -> ()
    %mul3A_19 = arith.constant 640 : i32
    %mul3A_20 = arith.muli %arg1, %mul3A_19 : i32
    %add3A_21 = arith.constant 512 : i32
    %add3A_22 = arith.addi %mul3A_20, %add3A_21 : i32
    "tpu.region"() ({
      %run_scoped3A = tpu.sem_alloc : memref<!tpu.dma_semaphore, #tpu.memory_space<semaphore_mem>>
      %dma_start3A = arith.constant 0 : i32
      %dma_start3A_84 = tpu.memref_slice %arg7[%add3A_22, %dma_start3A] : memref<10240x128xf32, #tpu.memory_space<vmem_shared>> -> memref<128x128xf32, #tpu.memory_space<vmem_shared>>
      %dma_start3A_85 = arith.constant 0 : i32
      %dma_start3A_86 = tpu.memref_slice %arg7[%add3A_22, %dma_start3A_85] : memref<10240x128xf32, #tpu.memory_space<vmem_shared>> -> memref<128x128xf32, #tpu.memory_space<vmem_shared>>
      tpu.enqueue_dma source(%arg10 : memref<128x128xf32, #tpu.memory_space<vmem>>) target(%dma_start3A_86 : memref<128x128xf32, #tpu.memory_space<vmem_shared>>) target_semaphore(%run_scoped3A : memref<!tpu.dma_semaphore, #tpu.memory_space<semaphore_mem>>)
      %dma_wait3A = arith.constant 0 : i32
      %dma_wait3A_87 = tpu.memref_slice %arg7[%add3A_22, %dma_wait3A] : memref<10240x128xf32, #tpu.memory_space<vmem_shared>> -> memref<128x128xf32, #tpu.memory_space<vmem_shared>>
      %dma_wait3A_88 = arith.constant 0 : i32
      %dma_wait3A_89 = tpu.memref_slice %arg7[%add3A_22, %dma_wait3A_88] : memref<10240x128xf32, #tpu.memory_space<vmem_shared>> -> memref<128x128xf32, #tpu.memory_space<vmem_shared>>
      tpu.wait_dma2 semaphore(%run_scoped3A : memref<!tpu.dma_semaphore, #tpu.memory_space<semaphore_mem>>) src(%arg10 : memref<128x128xf32, #tpu.memory_space<vmem>>) dst(%dma_wait3A_89 : memref<128x128xf32, #tpu.memory_space<vmem_shared>>)
      tpu.yield
    }) : () -> ()
    %barrier3A = arith.constant 0 : index
    tpu.barrier barrier_id(%barrier3A)
    %scan3A = arith.constant 0 : i32
    %scan3A_23 = arith.constant 0 : i32
    %scan3A_24 = arith.constant 5 : i32
    %scan3A_25 = arith.addi %scan3A_23, %scan3A_24 : i32
    %scan3A_26 = arith.constant 1 : i32
    scf.for %scan3A_84 = %scan3A_23 to %scan3A_25 step %scan3A_26  : i32 {
      %mul3A_85 = arith.constant 16 : i32
      %mul3A_86 = arith.muli %scan3A_84, %mul3A_85 : i32
      %add3A_87 = arith.addi %mul3A_2, %mul3A_86 : i32
      "tpu.region"() ({
        %run_scoped3A = tpu.sem_alloc : memref<!tpu.dma_semaphore, #tpu.memory_space<semaphore_mem>>
        %dma_start3A_103 = arith.constant 0 : i32
        %dma_start3A_104 = tpu.memref_slice %arg2[%add3A_87, %dma_start3A_103] : memref<2560x128xi32, #tpu.memory_space<hbm>> -> memref<16x128xi32, #tpu.memory_space<hbm>>
        %dma_start3A_105 = arith.constant 0 : i32
        %dma_start3A_106 = tpu.memref_slice %arg2[%add3A_87, %dma_start3A_105] : memref<2560x128xi32, #tpu.memory_space<hbm>> -> memref<16x128xi32, #tpu.memory_space<hbm>>
        tpu.enqueue_dma source(%dma_start3A_106 : memref<16x128xi32, #tpu.memory_space<hbm>>) target(%arg8 : memref<16x128xi32, #tpu.memory_space<vmem>>) target_semaphore(%run_scoped3A : memref<!tpu.dma_semaphore, #tpu.memory_space<semaphore_mem>>)
        %dma_wait3A = arith.constant 0 : i32
        %dma_wait3A_107 = tpu.memref_slice %arg2[%add3A_87, %dma_wait3A] : memref<2560x128xi32, #tpu.memory_space<hbm>> -> memref<16x128xi32, #tpu.memory_space<hbm>>
        %dma_wait3A_108 = arith.constant 0 : i32
        %dma_wait3A_109 = tpu.memref_slice %arg2[%add3A_87, %dma_wait3A_108] : memref<2560x128xi32, #tpu.memory_space<hbm>> -> memref<16x128xi32, #tpu.memory_space<hbm>>
        tpu.wait_dma2 semaphore(%run_scoped3A : memref<!tpu.dma_semaphore, #tpu.memory_space<semaphore_mem>>) src(%dma_wait3A_109 : memref<16x128xi32, #tpu.memory_space<hbm>>) dst(%arg8 : memref<16x128xi32, #tpu.memory_space<vmem>>)
        tpu.yield
      }) : () -> ()
      %mul3A_88 = arith.constant 16 : i32
      %mul3A_89 = arith.muli %scan3A_84, %mul3A_88 : i32
      %add3A_90 = arith.addi %mul3A_2, %mul3A_89 : i32
      "tpu.region"() ({
        %run_scoped3A = tpu.sem_alloc : memref<!tpu.dma_semaphore, #tpu.memory_space<semaphore_mem>>
        %dma_start3A_103 = arith.constant 0 : i32
        %dma_start3A_104 = tpu.memref_slice %arg3[%add3A_90, %dma_start3A_103] : memref<2560x128xi32, #tpu.memory_space<hbm>> -> memref<16x128xi32, #tpu.memory_space<hbm>>
        %dma_start3A_105 = arith.constant 0 : i32
        %dma_start3A_106 = tpu.memref_slice %arg3[%add3A_90, %dma_start3A_105] : memref<2560x128xi32, #tpu.memory_space<hbm>> -> memref<16x128xi32, #tpu.memory_space<hbm>>
        tpu.enqueue_dma source(%dma_start3A_106 : memref<16x128xi32, #tpu.memory_space<hbm>>) target(%arg9 : memref<16x128xi32, #tpu.memory_space<vmem>>) target_semaphore(%run_scoped3A : memref<!tpu.dma_semaphore, #tpu.memory_space<semaphore_mem>>)
        %dma_wait3A = arith.constant 0 : i32
        %dma_wait3A_107 = tpu.memref_slice %arg3[%add3A_90, %dma_wait3A] : memref<2560x128xi32, #tpu.memory_space<hbm>> -> memref<16x128xi32, #tpu.memory_space<hbm>>
        %dma_wait3A_108 = arith.constant 0 : i32
        %dma_wait3A_109 = tpu.memref_slice %arg3[%add3A_90, %dma_wait3A_108] : memref<2560x128xi32, #tpu.memory_space<hbm>> -> memref<16x128xi32, #tpu.memory_space<hbm>>
        tpu.wait_dma2 semaphore(%run_scoped3A : memref<!tpu.dma_semaphore, #tpu.memory_space<semaphore_mem>>) src(%dma_wait3A_109 : memref<16x128xi32, #tpu.memory_space<hbm>>) dst(%arg9 : memref<16x128xi32, #tpu.memory_space<vmem>>)
        tpu.yield
      }) : () -> ()
      %dma_start3A = arith.constant 0 : i32
      %dma_start3A_91 = arith.constant 0 : i32
      %dma_start3A_92 = tpu.memref_slice %arg8[%dma_start3A, %dma_start3A_91] : memref<16x128xi32, #tpu.memory_space<vmem>> -> memref<1x128xi32, #tpu.memory_space<vmem>>
      %dma_start3A_93 = tpu.memref_squeeze %dma_start3A_92 : memref<1x128xi32, #tpu.memory_space<vmem>> -> memref<128xi32, #tpu.memory_space<vmem>>
      %dma_start3A_94 = arith.constant 0 : i32
      %dma_start3A_95 = arith.constant 0 : i32
      %dma_start3A_96 = tpu.memref_slice %arg4[%dma_start3A_94, %dma_start3A_95] : memref<10240x128xf32, #tpu.memory_space<hbm>> -> memref<10240x128xf32, #tpu.memory_space<hbm>>
      tpu.enqueue_indirect_dma source(%dma_start3A_96 : memref<10240x128xf32, #tpu.memory_space<hbm>>) target(%arg10 : memref<128x128xf32, #tpu.memory_space<vmem>>) offsets(%dma_start3A_93 : memref<128xi32, #tpu.memory_space<vmem>>) semaphore(%arg12 : memref<!tpu.dma_semaphore, #tpu.memory_space<semaphore_mem>>)
      %scan3A_97 = arith.constant 0 : i32
      %scan3A_98 = arith.constant 0 : i32
      %scan3A_99 = arith.constant 8 : i32
      %scan3A_100 = arith.addi %scan3A_98, %scan3A_99 : i32
      %scan3A_101 = arith.constant 1 : i32
      scf.for %scan3A_103 = %scan3A_98 to %scan3A_100 step %scan3A_101  : i32 {
        %mul3A_104 = arith.constant 2 : i32
        %mul3A_105 = arith.muli %mul3A_104, %scan3A_103 : i32
        %add3A_106 = arith.constant 1 : i32
        %add3A_107 = arith.addi %mul3A_105, %add3A_106 : i32
        %dma_start3A_108 = arith.constant 0 : i32
        %dma_start3A_109 = tpu.memref_slice %arg8[%add3A_107, %dma_start3A_108] : memref<16x128xi32, #tpu.memory_space<vmem>> -> memref<1x128xi32, #tpu.memory_space<vmem>>
        %dma_start3A_110 = tpu.memref_squeeze %dma_start3A_109 : memref<1x128xi32, #tpu.memory_space<vmem>> -> memref<128xi32, #tpu.memory_space<vmem>>
        %dma_start3A_111 = arith.constant 0 : i32
        %dma_start3A_112 = arith.constant 0 : i32
        %dma_start3A_113 = tpu.memref_slice %arg4[%dma_start3A_111, %dma_start3A_112] : memref<10240x128xf32, #tpu.memory_space<hbm>> -> memref<10240x128xf32, #tpu.memory_space<hbm>>
        tpu.enqueue_indirect_dma source(%dma_start3A_113 : memref<10240x128xf32, #tpu.memory_space<hbm>>) target(%arg11 : memref<128x128xf32, #tpu.memory_space<vmem>>) offsets(%dma_start3A_110 : memref<128xi32, #tpu.memory_space<vmem>>) semaphore(%arg13 : memref<!tpu.dma_semaphore, #tpu.memory_space<semaphore_mem>>)
        %dma_wait3A = arith.constant 0 : i32
        %dma_wait3A_114 = tpu.memref_slice %arg8[%mul3A_105, %dma_wait3A] : memref<16x128xi32, #tpu.memory_space<vmem>> -> memref<1x128xi32, #tpu.memory_space<vmem>>
        %dma_wait3A_115 = tpu.memref_squeeze %dma_wait3A_114 : memref<1x128xi32, #tpu.memory_space<vmem>> -> memref<128xi32, #tpu.memory_space<vmem>>
        %dma_wait3A_116 = arith.constant 0 : i32
        %dma_wait3A_117 = arith.constant 0 : i32
        %dma_wait3A_118 = tpu.memref_slice %arg4[%dma_wait3A_116, %dma_wait3A_117] : memref<10240x128xf32, #tpu.memory_space<hbm>> -> memref<10240x128xf32, #tpu.memory_space<hbm>>
        tpu.wait_indirect_dma semaphore(%arg12 : memref<!tpu.dma_semaphore, #tpu.memory_space<semaphore_mem>>) src(%dma_wait3A_118 : memref<10240x128xf32, #tpu.memory_space<hbm>>) dst(%arg10 : memref<128x128xf32, #tpu.memory_space<vmem>>)
        "tpu.region"() ({
          %run_scoped3A = tpu.sem_alloc : memref<!tpu.dma_semaphore, #tpu.memory_space<semaphore_mem>>
          %dma_start3A_133 = arith.constant 0 : i32
          %dma_start3A_134 = tpu.memref_slice %arg9[%mul3A_105, %dma_start3A_133] : memref<16x128xi32, #tpu.memory_space<vmem>> -> memref<1x128xi32, #tpu.memory_space<vmem>>
          %dma_start3A_135 = tpu.memref_squeeze %dma_start3A_134 : memref<1x128xi32, #tpu.memory_space<vmem>> -> memref<128xi32, #tpu.memory_space<vmem>>
          %dma_start3A_136 = arith.constant 0 : i32
          %dma_start3A_137 = arith.constant 0 : i32
          %dma_start3A_138 = tpu.memref_slice %arg7[%dma_start3A_136, %dma_start3A_137] : memref<10240x128xf32, #tpu.memory_space<vmem_shared>> -> memref<10240x128xf32, #tpu.memory_space<vmem_shared>>
          tpu.enqueue_indirect_dma source(%arg10 : memref<128x128xf32, #tpu.memory_space<vmem>>) target(%dma_start3A_138 : memref<10240x128xf32, #tpu.memory_space<vmem_shared>>) offsets(%dma_start3A_135 : memref<128xi32, #tpu.memory_space<vmem>>) semaphore(%run_scoped3A : memref<!tpu.dma_semaphore, #tpu.memory_space<semaphore_mem>>) {add = true}
          %dma_wait3A_139 = arith.constant 0 : i32
          %dma_wait3A_140 = tpu.memref_slice %arg9[%mul3A_105, %dma_wait3A_139] : memref<16x128xi32, #tpu.memory_space<vmem>> -> memref<1x128xi32, #tpu.memory_space<vmem>>
          %dma_wait3A_141 = tpu.memref_squeeze %dma_wait3A_140 : memref<1x128xi32, #tpu.memory_space<vmem>> -> memref<128xi32, #tpu.memory_space<vmem>>
          %dma_wait3A_142 = arith.constant 0 : i32
          %dma_wait3A_143 = arith.constant 0 : i32
          %dma_wait3A_144 = tpu.memref_slice %arg7[%dma_wait3A_142, %dma_wait3A_143] : memref<10240x128xf32, #tpu.memory_space<vmem_shared>> -> memref<10240x128xf32, #tpu.memory_space<vmem_shared>>
          tpu.wait_indirect_dma semaphore(%run_scoped3A : memref<!tpu.dma_semaphore, #tpu.memory_space<semaphore_mem>>) src(%arg10 : memref<128x128xf32, #tpu.memory_space<vmem>>) dst(%dma_wait3A_144 : memref<10240x128xf32, #tpu.memory_space<vmem_shared>>)
          tpu.yield
        }) : () -> ()
        %add3A_119 = arith.constant 2 : i32
        %add3A_120 = arith.addi %mul3A_105, %add3A_119 : i32
        %lt3A = arith.constant 16 : i32
        %lt3A_121 = arith.cmpi slt, %add3A_120, %lt3A : i32
        %convert_element_type3A = arith.extui %lt3A_121 : i1 to i32
        %cond3A = arith.constant 0 : i32
        %cond3A_122 = arith.cmpi ne, %convert_element_type3A, %cond3A : i32
        scf.if %cond3A_122 {
          %add3A_133 = arith.constant 2 : i32
          %add3A_134 = arith.addi %mul3A_105, %add3A_133 : i32
          %dma_start3A_135 = arith.constant 0 : i32
          %dma_start3A_136 = tpu.memref_slice %arg8[%add3A_134, %dma_start3A_135] : memref<16x128xi32, #tpu.memory_space<vmem>> -> memref<1x128xi32, #tpu.memory_space<vmem>>
          %dma_start3A_137 = tpu.memref_squeeze %dma_start3A_136 : memref<1x128xi32, #tpu.memory_space<vmem>> -> memref<128xi32, #tpu.memory_space<vmem>>
          %dma_start3A_138 = arith.constant 0 : i32
          %dma_start3A_139 = arith.constant 0 : i32
          %dma_start3A_140 = tpu.memref_slice %arg4[%dma_start3A_138, %dma_start3A_139] : memref<10240x128xf32, #tpu.memory_space<hbm>> -> memref<10240x128xf32, #tpu.memory_space<hbm>>
          tpu.enqueue_indirect_dma source(%dma_start3A_140 : memref<10240x128xf32, #tpu.memory_space<hbm>>) target(%arg10 : memref<128x128xf32, #tpu.memory_space<vmem>>) offsets(%dma_start3A_137 : memref<128xi32, #tpu.memory_space<vmem>>) semaphore(%arg12 : memref<!tpu.dma_semaphore, #tpu.memory_space<semaphore_mem>>)
        } else {
        }
        %add3A_123 = arith.constant 1 : i32
        %add3A_124 = arith.addi %mul3A_105, %add3A_123 : i32
        %dma_wait3A_125 = arith.constant 0 : i32
        %dma_wait3A_126 = tpu.memref_slice %arg8[%add3A_124, %dma_wait3A_125] : memref<16x128xi32, #tpu.memory_space<vmem>> -> memref<1x128xi32, #tpu.memory_space<vmem>>
        %dma_wait3A_127 = tpu.memref_squeeze %dma_wait3A_126 : memref<1x128xi32, #tpu.memory_space<vmem>> -> memref<128xi32, #tpu.memory_space<vmem>>
        %dma_wait3A_128 = arith.constant 0 : i32
        %dma_wait3A_129 = arith.constant 0 : i32
        %dma_wait3A_130 = tpu.memref_slice %arg4[%dma_wait3A_128, %dma_wait3A_129] : memref<10240x128xf32, #tpu.memory_space<hbm>> -> memref<10240x128xf32, #tpu.memory_space<hbm>>
        tpu.wait_indirect_dma semaphore(%arg13 : memref<!tpu.dma_semaphore, #tpu.memory_space<semaphore_mem>>) src(%dma_wait3A_130 : memref<10240x128xf32, #tpu.memory_space<hbm>>) dst(%arg11 : memref<128x128xf32, #tpu.memory_space<vmem>>)
        %add3A_131 = arith.constant 1 : i32
        %add3A_132 = arith.addi %mul3A_105, %add3A_131 : i32
        "tpu.region"() ({
          %run_scoped3A = tpu.sem_alloc : memref<!tpu.dma_semaphore, #tpu.memory_space<semaphore_mem>>
          %dma_start3A_133 = arith.constant 0 : i32
          %dma_start3A_134 = tpu.memref_slice %arg9[%add3A_132, %dma_start3A_133] : memref<16x128xi32, #tpu.memory_space<vmem>> -> memref<1x128xi32, #tpu.memory_space<vmem>>
          %dma_start3A_135 = tpu.memref_squeeze %dma_start3A_134 : memref<1x128xi32, #tpu.memory_space<vmem>> -> memref<128xi32, #tpu.memory_space<vmem>>
          %dma_start3A_136 = arith.constant 0 : i32
          %dma_start3A_137 = arith.constant 0 : i32
          %dma_start3A_138 = tpu.memref_slice %arg7[%dma_start3A_136, %dma_start3A_137] : memref<10240x128xf32, #tpu.memory_space<vmem_shared>> -> memref<10240x128xf32, #tpu.memory_space<vmem_shared>>
          tpu.enqueue_indirect_dma source(%arg11 : memref<128x128xf32, #tpu.memory_space<vmem>>) target(%dma_start3A_138 : memref<10240x128xf32, #tpu.memory_space<vmem_shared>>) offsets(%dma_start3A_135 : memref<128xi32, #tpu.memory_space<vmem>>) semaphore(%run_scoped3A : memref<!tpu.dma_semaphore, #tpu.memory_space<semaphore_mem>>) {add = true}
          %dma_wait3A_139 = arith.constant 0 : i32
          %dma_wait3A_140 = tpu.memref_slice %arg9[%add3A_132, %dma_wait3A_139] : memref<16x128xi32, #tpu.memory_space<vmem>> -> memref<1x128xi32, #tpu.memory_space<vmem>>
          %dma_wait3A_141 = tpu.memref_squeeze %dma_wait3A_140 : memref<1x128xi32, #tpu.memory_space<vmem>> -> memref<128xi32, #tpu.memory_space<vmem>>
          %dma_wait3A_142 = arith.constant 0 : i32
          %dma_wait3A_143 = arith.constant 0 : i32
          %dma_wait3A_144 = tpu.memref_slice %arg7[%dma_wait3A_142, %dma_wait3A_143] : memref<10240x128xf32, #tpu.memory_space<vmem_shared>> -> memref<10240x128xf32, #tpu.memory_space<vmem_shared>>
          tpu.wait_indirect_dma semaphore(%run_scoped3A : memref<!tpu.dma_semaphore, #tpu.memory_space<semaphore_mem>>) src(%arg11 : memref<128x128xf32, #tpu.memory_space<vmem>>) dst(%dma_wait3A_144 : memref<10240x128xf32, #tpu.memory_space<vmem_shared>>)
          tpu.yield
        }) : () -> ()
      }
      %scan3A_102 = arith.constant 8 : i32
    }
    %scan3A_27 = arith.constant 5 : i32
    %barrier3A_28 = arith.constant 0 : index
    tpu.barrier barrier_id(%barrier3A_28)
    %mul3A_29 = arith.constant 640 : i32
    %mul3A_30 = arith.muli %arg1, %mul3A_29 : i32
    %add3A_31 = arith.constant 0 : i32
    %add3A_32 = arith.addi %mul3A_30, %add3A_31 : i32
    "tpu.region"() ({
      %run_scoped3A = tpu.sem_alloc : memref<!tpu.dma_semaphore, #tpu.memory_space<semaphore_mem>>
      %dma_start3A = arith.constant 0 : i32
      %dma_start3A_84 = tpu.memref_slice %arg7[%add3A_32, %dma_start3A] : memref<10240x128xf32, #tpu.memory_space<vmem_shared>> -> memref<128x128xf32, #tpu.memory_space<vmem_shared>>
      %dma_start3A_85 = arith.constant 0 : i32
      %dma_start3A_86 = tpu.memref_slice %arg7[%add3A_32, %dma_start3A_85] : memref<10240x128xf32, #tpu.memory_space<vmem_shared>> -> memref<128x128xf32, #tpu.memory_space<vmem_shared>>
      tpu.enqueue_dma source(%dma_start3A_86 : memref<128x128xf32, #tpu.memory_space<vmem_shared>>) target(%arg10 : memref<128x128xf32, #tpu.memory_space<vmem>>) target_semaphore(%run_scoped3A : memref<!tpu.dma_semaphore, #tpu.memory_space<semaphore_mem>>)
      %dma_wait3A = arith.constant 0 : i32
      %dma_wait3A_87 = tpu.memref_slice %arg7[%add3A_32, %dma_wait3A] : memref<10240x128xf32, #tpu.memory_space<vmem_shared>> -> memref<128x128xf32, #tpu.memory_space<vmem_shared>>
      %dma_wait3A_88 = arith.constant 0 : i32
      %dma_wait3A_89 = tpu.memref_slice %arg7[%add3A_32, %dma_wait3A_88] : memref<10240x128xf32, #tpu.memory_space<vmem_shared>> -> memref<128x128xf32, #tpu.memory_space<vmem_shared>>
      tpu.wait_dma2 semaphore(%run_scoped3A : memref<!tpu.dma_semaphore, #tpu.memory_space<semaphore_mem>>) src(%dma_wait3A_89 : memref<128x128xf32, #tpu.memory_space<vmem_shared>>) dst(%arg10 : memref<128x128xf32, #tpu.memory_space<vmem>>)
      tpu.yield
    }) : () -> ()
    %mul3A_33 = arith.constant 10240 : i32
    %mul3A_34 = arith.muli %arg0, %mul3A_33 : i32
    %mul3A_35 = arith.constant 640 : i32
    %mul3A_36 = arith.muli %arg1, %mul3A_35 : i32
    %add3A_37 = arith.addi %mul3A_34, %mul3A_36 : i32
    %add3A_38 = arith.constant 0 : i32
    %add3A_39 = arith.addi %add3A_37, %add3A_38 : i32
    "tpu.region"() ({
      %run_scoped3A = tpu.sem_alloc : memref<!tpu.dma_semaphore, #tpu.memory_space<semaphore_mem>>
      %dma_start3A = arith.constant 0 : i32
      %dma_start3A_84 = tpu.memref_slice %arg6[%add3A_39, %dma_start3A] : memref<20480x128xf32, #tpu.memory_space<hbm>> -> memref<128x128xf32, #tpu.memory_space<hbm>>
      %dma_start3A_85 = arith.constant 0 : i32
      %dma_start3A_86 = tpu.memref_slice %arg6[%add3A_39, %dma_start3A_85] : memref<20480x128xf32, #tpu.memory_space<hbm>> -> memref<128x128xf32, #tpu.memory_space<hbm>>
      tpu.enqueue_dma source(%arg10 : memref<128x128xf32, #tpu.memory_space<vmem>>) target(%dma_start3A_86 : memref<128x128xf32, #tpu.memory_space<hbm>>) target_semaphore(%run_scoped3A : memref<!tpu.dma_semaphore, #tpu.memory_space<semaphore_mem>>)
      %dma_wait3A = arith.constant 0 : i32
      %dma_wait3A_87 = tpu.memref_slice %arg6[%add3A_39, %dma_wait3A] : memref<20480x128xf32, #tpu.memory_space<hbm>> -> memref<128x128xf32, #tpu.memory_space<hbm>>
      %dma_wait3A_88 = arith.constant 0 : i32
      %dma_wait3A_89 = tpu.memref_slice %arg6[%add3A_39, %dma_wait3A_88] : memref<20480x128xf32, #tpu.memory_space<hbm>> -> memref<128x128xf32, #tpu.memory_space<hbm>>
      tpu.wait_dma2 semaphore(%run_scoped3A : memref<!tpu.dma_semaphore, #tpu.memory_space<semaphore_mem>>) src(%arg10 : memref<128x128xf32, #tpu.memory_space<vmem>>) dst(%dma_wait3A_89 : memref<128x128xf32, #tpu.memory_space<hbm>>)
      tpu.yield
    }) : () -> ()
    %mul3A_40 = arith.constant 640 : i32
    %mul3A_41 = arith.muli %arg1, %mul3A_40 : i32
    %add3A_42 = arith.constant 128 : i32
    %add3A_43 = arith.addi %mul3A_41, %add3A_42 : i32
    "tpu.region"() ({
      %run_scoped3A = tpu.sem_alloc : memref<!tpu.dma_semaphore, #tpu.memory_space<semaphore_mem>>
      %dma_start3A = arith.constant 0 : i32
      %dma_start3A_84 = tpu.memref_slice %arg7[%add3A_43, %dma_start3A] : memref<10240x128xf32, #tpu.memory_space<vmem_shared>> -> memref<128x128xf32, #tpu.memory_space<vmem_shared>>
      %dma_start3A_85 = arith.constant 0 : i32
      %dma_start3A_86 = tpu.memref_slice %arg7[%add3A_43, %dma_start3A_85] : memref<10240x128xf32, #tpu.memory_space<vmem_shared>> -> memref<128x128xf32, #tpu.memory_space<vmem_shared>>
      tpu.enqueue_dma source(%dma_start3A_86 : memref<128x128xf32, #tpu.memory_space<vmem_shared>>) target(%arg10 : memref<128x128xf32, #tpu.memory_space<vmem>>) target_semaphore(%run_scoped3A : memref<!tpu.dma_semaphore, #tpu.memory_space<semaphore_mem>>)
      %dma_wait3A = arith.constant 0 : i32
      %dma_wait3A_87 = tpu.memref_slice %arg7[%add3A_43, %dma_wait3A] : memref<10240x128xf32, #tpu.memory_space<vmem_shared>> -> memref<128x128xf32, #tpu.memory_space<vmem_shared>>
      %dma_wait3A_88 = arith.constant 0 : i32
      %dma_wait3A_89 = tpu.memref_slice %arg7[%add3A_43, %dma_wait3A_88] : memref<10240x128xf32, #tpu.memory_space<vmem_shared>> -> memref<128x128xf32, #tpu.memory_space<vmem_shared>>
      tpu.wait_dma2 semaphore(%run_scoped3A : memref<!tpu.dma_semaphore, #tpu.memory_space<semaphore_mem>>) src(%dma_wait3A_89 : memref<128x128xf32, #tpu.memory_space<vmem_shared>>) dst(%arg10 : memref<128x128xf32, #tpu.memory_space<vmem>>)
      tpu.yield
    }) : () -> ()
    %mul3A_44 = arith.constant 10240 : i32
    %mul3A_45 = arith.muli %arg0, %mul3A_44 : i32
    %mul3A_46 = arith.constant 640 : i32
    %mul3A_47 = arith.muli %arg1, %mul3A_46 : i32
    %add3A_48 = arith.addi %mul3A_45, %mul3A_47 : i32
    %add3A_49 = arith.constant 128 : i32
    %add3A_50 = arith.addi %add3A_48, %add3A_49 : i32
    "tpu.region"() ({
      %run_scoped3A = tpu.sem_alloc : memref<!tpu.dma_semaphore, #tpu.memory_space<semaphore_mem>>
      %dma_start3A = arith.constant 0 : i32
      %dma_start3A_84 = tpu.memref_slice %arg6[%add3A_50, %dma_start3A] : memref<20480x128xf32, #tpu.memory_space<hbm>> -> memref<128x128xf32, #tpu.memory_space<hbm>>
      %dma_start3A_85 = arith.constant 0 : i32
      %dma_start3A_86 = tpu.memref_slice %arg6[%add3A_50, %dma_start3A_85] : memref<20480x128xf32, #tpu.memory_space<hbm>> -> memref<128x128xf32, #tpu.memory_space<hbm>>
      tpu.enqueue_dma source(%arg10 : memref<128x128xf32, #tpu.memory_space<vmem>>) target(%dma_start3A_86 : memref<128x128xf32, #tpu.memory_space<hbm>>) target_semaphore(%run_scoped3A : memref<!tpu.dma_semaphore, #tpu.memory_space<semaphore_mem>>)
      %dma_wait3A = arith.constant 0 : i32
      %dma_wait3A_87 = tpu.memref_slice %arg6[%add3A_50, %dma_wait3A] : memref<20480x128xf32, #tpu.memory_space<hbm>> -> memref<128x128xf32, #tpu.memory_space<hbm>>
      %dma_wait3A_88 = arith.constant 0 : i32
      %dma_wait3A_89 = tpu.memref_slice %arg6[%add3A_50, %dma_wait3A_88] : memref<20480x128xf32, #tpu.memory_space<hbm>> -> memref<128x128xf32, #tpu.memory_space<hbm>>
      tpu.wait_dma2 semaphore(%run_scoped3A : memref<!tpu.dma_semaphore, #tpu.memory_space<semaphore_mem>>) src(%arg10 : memref<128x128xf32, #tpu.memory_space<vmem>>) dst(%dma_wait3A_89 : memref<128x128xf32, #tpu.memory_space<hbm>>)
      tpu.yield
    }) : () -> ()
    %mul3A_51 = arith.constant 640 : i32
    %mul3A_52 = arith.muli %arg1, %mul3A_51 : i32
    %add3A_53 = arith.constant 256 : i32
    %add3A_54 = arith.addi %mul3A_52, %add3A_53 : i32
    "tpu.region"() ({
      %run_scoped3A = tpu.sem_alloc : memref<!tpu.dma_semaphore, #tpu.memory_space<semaphore_mem>>
      %dma_start3A = arith.constant 0 : i32
      %dma_start3A_84 = tpu.memref_slice %arg7[%add3A_54, %dma_start3A] : memref<10240x128xf32, #tpu.memory_space<vmem_shared>> -> memref<128x128xf32, #tpu.memory_space<vmem_shared>>
      %dma_start3A_85 = arith.constant 0 : i32
      %dma_start3A_86 = tpu.memref_slice %arg7[%add3A_54, %dma_start3A_85] : memref<10240x128xf32, #tpu.memory_space<vmem_shared>> -> memref<128x128xf32, #tpu.memory_space<vmem_shared>>
      tpu.enqueue_dma source(%dma_start3A_86 : memref<128x128xf32, #tpu.memory_space<vmem_shared>>) target(%arg10 : memref<128x128xf32, #tpu.memory_space<vmem>>) target_semaphore(%run_scoped3A : memref<!tpu.dma_semaphore, #tpu.memory_space<semaphore_mem>>)
      %dma_wait3A = arith.constant 0 : i32
      %dma_wait3A_87 = tpu.memref_slice %arg7[%add3A_54, %dma_wait3A] : memref<10240x128xf32, #tpu.memory_space<vmem_shared>> -> memref<128x128xf32, #tpu.memory_space<vmem_shared>>
      %dma_wait3A_88 = arith.constant 0 : i32
      %dma_wait3A_89 = tpu.memref_slice %arg7[%add3A_54, %dma_wait3A_88] : memref<10240x128xf32, #tpu.memory_space<vmem_shared>> -> memref<128x128xf32, #tpu.memory_space<vmem_shared>>
      tpu.wait_dma2 semaphore(%run_scoped3A : memref<!tpu.dma_semaphore, #tpu.memory_space<semaphore_mem>>) src(%dma_wait3A_89 : memref<128x128xf32, #tpu.memory_space<vmem_shared>>) dst(%arg10 : memref<128x128xf32, #tpu.memory_space<vmem>>)
      tpu.yield
    }) : () -> ()
    %mul3A_55 = arith.constant 10240 : i32
    %mul3A_56 = arith.muli %arg0, %mul3A_55 : i32
    %mul3A_57 = arith.constant 640 : i32
    %mul3A_58 = arith.muli %arg1, %mul3A_57 : i32
    %add3A_59 = arith.addi %mul3A_56, %mul3A_58 : i32
    %add3A_60 = arith.constant 256 : i32
    %add3A_61 = arith.addi %add3A_59, %add3A_60 : i32
    "tpu.region"() ({
      %run_scoped3A = tpu.sem_alloc : memref<!tpu.dma_semaphore, #tpu.memory_space<semaphore_mem>>
      %dma_start3A = arith.constant 0 : i32
      %dma_start3A_84 = tpu.memref_slice %arg6[%add3A_61, %dma_start3A] : memref<20480x128xf32, #tpu.memory_space<hbm>> -> memref<128x128xf32, #tpu.memory_space<hbm>>
      %dma_start3A_85 = arith.constant 0 : i32
      %dma_start3A_86 = tpu.memref_slice %arg6[%add3A_61, %dma_start3A_85] : memref<20480x128xf32, #tpu.memory_space<hbm>> -> memref<128x128xf32, #tpu.memory_space<hbm>>
      tpu.enqueue_dma source(%arg10 : memref<128x128xf32, #tpu.memory_space<vmem>>) target(%dma_start3A_86 : memref<128x128xf32, #tpu.memory_space<hbm>>) target_semaphore(%run_scoped3A : memref<!tpu.dma_semaphore, #tpu.memory_space<semaphore_mem>>)
      %dma_wait3A = arith.constant 0 : i32
      %dma_wait3A_87 = tpu.memref_slice %arg6[%add3A_61, %dma_wait3A] : memref<20480x128xf32, #tpu.memory_space<hbm>> -> memref<128x128xf32, #tpu.memory_space<hbm>>
      %dma_wait3A_88 = arith.constant 0 : i32
      %dma_wait3A_89 = tpu.memref_slice %arg6[%add3A_61, %dma_wait3A_88] : memref<20480x128xf32, #tpu.memory_space<hbm>> -> memref<128x128xf32, #tpu.memory_space<hbm>>
      tpu.wait_dma2 semaphore(%run_scoped3A : memref<!tpu.dma_semaphore, #tpu.memory_space<semaphore_mem>>) src(%arg10 : memref<128x128xf32, #tpu.memory_space<vmem>>) dst(%dma_wait3A_89 : memref<128x128xf32, #tpu.memory_space<hbm>>)
      tpu.yield
    }) : () -> ()
    %mul3A_62 = arith.constant 640 : i32
    %mul3A_63 = arith.muli %arg1, %mul3A_62 : i32
    %add3A_64 = arith.constant 384 : i32
    %add3A_65 = arith.addi %mul3A_63, %add3A_64 : i32
    "tpu.region"() ({
      %run_scoped3A = tpu.sem_alloc : memref<!tpu.dma_semaphore, #tpu.memory_space<semaphore_mem>>
      %dma_start3A = arith.constant 0 : i32
      %dma_start3A_84 = tpu.memref_slice %arg7[%add3A_65, %dma_start3A] : memref<10240x128xf32, #tpu.memory_space<vmem_shared>> -> memref<128x128xf32, #tpu.memory_space<vmem_shared>>
      %dma_start3A_85 = arith.constant 0 : i32
      %dma_start3A_86 = tpu.memref_slice %arg7[%add3A_65, %dma_start3A_85] : memref<10240x128xf32, #tpu.memory_space<vmem_shared>> -> memref<128x128xf32, #tpu.memory_space<vmem_shared>>
      tpu.enqueue_dma source(%dma_start3A_86 : memref<128x128xf32, #tpu.memory_space<vmem_shared>>) target(%arg10 : memref<128x128xf32, #tpu.memory_space<vmem>>) target_semaphore(%run_scoped3A : memref<!tpu.dma_semaphore, #tpu.memory_space<semaphore_mem>>)
      %dma_wait3A = arith.constant 0 : i32
      %dma_wait3A_87 = tpu.memref_slice %arg7[%add3A_65, %dma_wait3A] : memref<10240x128xf32, #tpu.memory_space<vmem_shared>> -> memref<128x128xf32, #tpu.memory_space<vmem_shared>>
      %dma_wait3A_88 = arith.constant 0 : i32
      %dma_wait3A_89 = tpu.memref_slice %arg7[%add3A_65, %dma_wait3A_88] : memref<10240x128xf32, #tpu.memory_space<vmem_shared>> -> memref<128x128xf32, #tpu.memory_space<vmem_shared>>
      tpu.wait_dma2 semaphore(%run_scoped3A : memref<!tpu.dma_semaphore, #tpu.memory_space<semaphore_mem>>) src(%dma_wait3A_89 : memref<128x128xf32, #tpu.memory_space<vmem_shared>>) dst(%arg10 : memref<128x128xf32, #tpu.memory_space<vmem>>)
      tpu.yield
    }) : () -> ()
    %mul3A_66 = arith.constant 10240 : i32
    %mul3A_67 = arith.muli %arg0, %mul3A_66 : i32
    %mul3A_68 = arith.constant 640 : i32
    %mul3A_69 = arith.muli %arg1, %mul3A_68 : i32
    %add3A_70 = arith.addi %mul3A_67, %mul3A_69 : i32
    %add3A_71 = arith.constant 384 : i32
    %add3A_72 = arith.addi %add3A_70, %add3A_71 : i32
    "tpu.region"() ({
      %run_scoped3A = tpu.sem_alloc : memref<!tpu.dma_semaphore, #tpu.memory_space<semaphore_mem>>
      %dma_start3A = arith.constant 0 : i32
      %dma_start3A_84 = tpu.memref_slice %arg6[%add3A_72, %dma_start3A] : memref<20480x128xf32, #tpu.memory_space<hbm>> -> memref<128x128xf32, #tpu.memory_space<hbm>>
      %dma_start3A_85 = arith.constant 0 : i32
      %dma_start3A_86 = tpu.memref_slice %arg6[%add3A_72, %dma_start3A_85] : memref<20480x128xf32, #tpu.memory_space<hbm>> -> memref<128x128xf32, #tpu.memory_space<hbm>>
      tpu.enqueue_dma source(%arg10 : memref<128x128xf32, #tpu.memory_space<vmem>>) target(%dma_start3A_86 : memref<128x128xf32, #tpu.memory_space<hbm>>) target_semaphore(%run_scoped3A : memref<!tpu.dma_semaphore, #tpu.memory_space<semaphore_mem>>)
      %dma_wait3A = arith.constant 0 : i32
      %dma_wait3A_87 = tpu.memref_slice %arg6[%add3A_72, %dma_wait3A] : memref<20480x128xf32, #tpu.memory_space<hbm>> -> memref<128x128xf32, #tpu.memory_space<hbm>>
      %dma_wait3A_88 = arith.constant 0 : i32
      %dma_wait3A_89 = tpu.memref_slice %arg6[%add3A_72, %dma_wait3A_88] : memref<20480x128xf32, #tpu.memory_space<hbm>> -> memref<128x128xf32, #tpu.memory_space<hbm>>
      tpu.wait_dma2 semaphore(%run_scoped3A : memref<!tpu.dma_semaphore, #tpu.memory_space<semaphore_mem>>) src(%arg10 : memref<128x128xf32, #tpu.memory_space<vmem>>) dst(%dma_wait3A_89 : memref<128x128xf32, #tpu.memory_space<hbm>>)
      tpu.yield
    }) : () -> ()
    %mul3A_73 = arith.constant 640 : i32
    %mul3A_74 = arith.muli %arg1, %mul3A_73 : i32
    %add3A_75 = arith.constant 512 : i32
    %add3A_76 = arith.addi %mul3A_74, %add3A_75 : i32
    "tpu.region"() ({
      %run_scoped3A = tpu.sem_alloc : memref<!tpu.dma_semaphore, #tpu.memory_space<semaphore_mem>>
      %dma_start3A = arith.constant 0 : i32
      %dma_start3A_84 = tpu.memref_slice %arg7[%add3A_76, %dma_start3A] : memref<10240x128xf32, #tpu.memory_space<vmem_shared>> -> memref<128x128xf32, #tpu.memory_space<vmem_shared>>
      %dma_start3A_85 = arith.constant 0 : i32
      %dma_start3A_86 = tpu.memref_slice %arg7[%add3A_76, %dma_start3A_85] : memref<10240x128xf32, #tpu.memory_space<vmem_shared>> -> memref<128x128xf32, #tpu.memory_space<vmem_shared>>
      tpu.enqueue_dma source(%dma_start3A_86 : memref<128x128xf32, #tpu.memory_space<vmem_shared>>) target(%arg10 : memref<128x128xf32, #tpu.memory_space<vmem>>) target_semaphore(%run_scoped3A : memref<!tpu.dma_semaphore, #tpu.memory_space<semaphore_mem>>)
      %dma_wait3A = arith.constant 0 : i32
      %dma_wait3A_87 = tpu.memref_slice %arg7[%add3A_76, %dma_wait3A] : memref<10240x128xf32, #tpu.memory_space<vmem_shared>> -> memref<128x128xf32, #tpu.memory_space<vmem_shared>>
      %dma_wait3A_88 = arith.constant 0 : i32
      %dma_wait3A_89 = tpu.memref_slice %arg7[%add3A_76, %dma_wait3A_88] : memref<10240x128xf32, #tpu.memory_space<vmem_shared>> -> memref<128x128xf32, #tpu.memory_space<vmem_shared>>
      tpu.wait_dma2 semaphore(%run_scoped3A : memref<!tpu.dma_semaphore, #tpu.memory_space<semaphore_mem>>) src(%dma_wait3A_89 : memref<128x128xf32, #tpu.memory_space<vmem_shared>>) dst(%arg10 : memref<128x128xf32, #tpu.memory_space<vmem>>)
      tpu.yield
    }) : () -> ()
    %mul3A_77 = arith.constant 10240 : i32
    %mul3A_78 = arith.muli %arg0, %mul3A_77 : i32
    %mul3A_79 = arith.constant 640 : i32
    %mul3A_80 = arith.muli %arg1, %mul3A_79 : i32
    %add3A_81 = arith.addi %mul3A_78, %mul3A_80 : i32
    %add3A_82 = arith.constant 512 : i32
    %add3A_83 = arith.addi %add3A_81, %add3A_82 : i32
    "tpu.region"() ({
      %run_scoped3A = tpu.sem_alloc : memref<!tpu.dma_semaphore, #tpu.memory_space<semaphore_mem>>
      %dma_start3A = arith.constant 0 : i32
      %dma_start3A_84 = tpu.memref_slice %arg6[%add3A_83, %dma_start3A] : memref<20480x128xf32, #tpu.memory_space<hbm>> -> memref<128x128xf32, #tpu.memory_space<hbm>>
      %dma_start3A_85 = arith.constant 0 : i32
      %dma_start3A_86 = tpu.memref_slice %arg6[%add3A_83, %dma_start3A_85] : memref<20480x128xf32, #tpu.memory_space<hbm>> -> memref<128x128xf32, #tpu.memory_space<hbm>>
      tpu.enqueue_dma source(%arg10 : memref<128x128xf32, #tpu.memory_space<vmem>>) target(%dma_start3A_86 : memref<128x128xf32, #tpu.memory_space<hbm>>) target_semaphore(%run_scoped3A : memref<!tpu.dma_semaphore, #tpu.memory_space<semaphore_mem>>)
      %dma_wait3A = arith.constant 0 : i32
      %dma_wait3A_87 = tpu.memref_slice %arg6[%add3A_83, %dma_wait3A] : memref<20480x128xf32, #tpu.memory_space<hbm>> -> memref<128x128xf32, #tpu.memory_space<hbm>>
      %dma_wait3A_88 = arith.constant 0 : i32
      %dma_wait3A_89 = tpu.memref_slice %arg6[%add3A_83, %dma_wait3A_88] : memref<20480x128xf32, #tpu.memory_space<hbm>> -> memref<128x128xf32, #tpu.memory_space<hbm>>
      tpu.wait_dma2 semaphore(%run_scoped3A : memref<!tpu.dma_semaphore, #tpu.memory_space<semaphore_mem>>) src(%arg10 : memref<128x128xf32, #tpu.memory_space<vmem>>) dst(%dma_wait3A_89 : memref<128x128xf32, #tpu.memory_space<hbm>>)
      tpu.yield
    }) : () -> ()
    return
  }
}

module attributes {stable_mosaic.version = 14 : i64} {
  func.func @_scale_body(%arg0: i32, %arg1: memref<1024x128xf32, #tpu.memory_space<vmem>>, %arg2: memref<1x1x1024xf32, #tpu.memory_space<vmem>>, %arg3: memref<1x1x1024xf32, #tpu.memory_space<vmem>>, %arg4: memref<1024x128xf32, #tpu.memory_space<vmem>>) attributes {dimension_semantics = [#tpu.dimension_semantics<arbitrary>], iteration_bounds = array<i64: 10>, scalar_prefetch = 0 : i64, scratch_operands = 0 : i64, tpu.core_type = #tpu.core_type<tc>, window_params = [{transform_indices = @transform_0, window_bounds = array<i64: 1024, 128>}, {transform_indices = @transform_1, window_bounds = array<i64: 1, 1, 1024>}, {transform_indices = @transform_2, window_bounds = array<i64: 1, 1, 1024>}, {transform_indices = @transform_3, window_bounds = array<i64: 1024, 128>}]} {
    %get3A = arith.constant 0 : index
    %get3A_0 = arith.constant 0 : index
    %get3A_1 = arith.constant 0 : index
    %get3A_2 = vector.load %arg2[%get3A, %get3A_0, %get3A_1] : memref<1x1x1024xf32, #tpu.memory_space<vmem>>, vector<1x1x1024xf32>
    %get3A_3 = vector.shape_cast %get3A_2 : vector<1x1x1024xf32> to vector<1024xf32>
    %get3A_4 = arith.constant 0 : index
    %get3A_5 = arith.constant 0 : index
    %get3A_6 = arith.constant 0 : index
    %get3A_7 = vector.load %arg3[%get3A_4, %get3A_5, %get3A_6] : memref<1x1x1024xf32, #tpu.memory_space<vmem>>, vector<1x1x1024xf32>
    %get3A_8 = vector.shape_cast %get3A_7 : vector<1x1x1024xf32> to vector<1024xf32>
    %add3A = arith.addf %get3A_3, %get3A_8 : vector<1024xf32>
    %max3A = arith.constant 1.000000e+00 : f32
    %max3A_9 = vector.broadcast %max3A : f32 to vector<1024xf32>
    %max3A_10 = arith.maximumf %add3A, %max3A_9 : vector<1024xf32>
    %rsqrt3A = math.rsqrt %max3A_10 : vector<1024xf32>
    %get3A_11 = arith.constant 0 : index
    %get3A_12 = arith.constant 0 : index
    %get3A_13 = vector.load %arg1[%get3A_11, %get3A_12] : memref<1024x128xf32, #tpu.memory_space<vmem>>, vector<1024x128xf32>
    %broadcast_in_dim3A = vector.shape_cast %rsqrt3A : vector<1024xf32> to vector<1024x1xf32>
    %mul3A = vector.broadcast %broadcast_in_dim3A : vector<1024x1xf32> to vector<1024x128xf32>
    %mul3A_14 = arith.mulf %get3A_13, %mul3A : vector<1024x128xf32>
    %swap3A = arith.constant 0 : index
    %swap3A_15 = arith.constant 0 : index
    %swap3A_16 = vector.load %arg4[%swap3A, %swap3A_15] : memref<1024x128xf32, #tpu.memory_space<vmem>>, vector<1024x128xf32>
    tpu.vector_store %arg4[%swap3A, %swap3A_15], %mul3A_14 {strides = array<i32>} : memref<1024x128xf32, #tpu.memory_space<vmem>>, vector<1024x128xf32>,
    return
  }
  func.func @transform_0(%arg0: i32) -> (i32, i32) {
    %c0_i32 = arith.constant 0 : i32
    %c0_i32_0 = arith.constant 0 : i32
    return %arg0, %c0_i32 : i32, i32
  }
  func.func @transform_1(%arg0: i32) -> (i32, i32, i32) {
    %c0_i32 = arith.constant 0 : i32
    %c0_i32_0 = arith.constant 0 : i32
    %c0_i32_1 = arith.constant 0 : i32
    return %arg0, %c0_i32, %c0_i32_0 : i32, i32, i32
  }
  func.func @transform_2(%arg0: i32) -> (i32, i32, i32) {
    %add3A = arith.constant 10 : i32
    %add3A_0 = arith.addi %arg0, %add3A : i32
    %c0_i32 = arith.constant 0 : i32
    %c0_i32_1 = arith.constant 0 : i32
    %c0_i32_2 = arith.constant 0 : i32
    return %add3A_0, %c0_i32, %c0_i32_1 : i32, i32, i32
  }
  func.func @transform_3(%arg0: i32) -> (i32, i32) {
    %c0_i32 = arith.constant 0 : i32
    %c0_i32_0 = arith.constant 0 : i32
    return %arg0, %c0_i32 : i32, i32
  }
}

module attributes {stable_mosaic.version = 14 : i64} {
  func.func @_out_body(%arg0: i32, %arg1: memref<1024x128xf32, #tpu.memory_space<vmem>>, %arg2: memref<1024x128xf32, #tpu.memory_space<vmem>>, %arg3: memref<1x1x1024xf32, #tpu.memory_space<vmem>>, %arg4: memref<1x1x1024xf32, #tpu.memory_space<vmem>>, %arg5: memref<128x128xf32, #tpu.memory_space<vmem>>, %arg6: memref<8x128xf32, #tpu.memory_space<vmem>>, %arg7: memref<1024x128xf32, #tpu.memory_space<vmem>>) attributes {dimension_semantics = [#tpu.dimension_semantics<arbitrary>], iteration_bounds = array<i64: 10>, scalar_prefetch = 0 : i64, scratch_operands = 0 : i64, tpu.core_type = #tpu.core_type<tc>, window_params = [{transform_indices = @transform_0, window_bounds = array<i64: 1024, 128>}, {transform_indices = @transform_1, window_bounds = array<i64: 1024, 128>}, {transform_indices = @transform_2, window_bounds = array<i64: 1, 1, 1024>}, {transform_indices = @transform_3, window_bounds = array<i64: 1, 1, 1024>}, {pipeline_mode = #tpu.pipeline_mode<synchronous>, transform_indices = @transform_4, window_bounds = array<i64: 128, 128>}, {pipeline_mode = #tpu.pipeline_mode<synchronous>, transform_indices = @transform_5, window_bounds = array<i64: 8, 128>}, {transform_indices = @transform_6, window_bounds = array<i64: 1024, 128>}]} {
    %get3A = arith.constant 0 : index
    %get3A_0 = arith.constant 0 : index
    %get3A_1 = arith.constant 0 : index
    %get3A_2 = vector.load %arg3[%get3A, %get3A_0, %get3A_1] : memref<1x1x1024xf32, #tpu.memory_space<vmem>>, vector<1x1x1024xf32>
    %get3A_3 = vector.shape_cast %get3A_2 : vector<1x1x1024xf32> to vector<1024xf32>
    %get3A_4 = arith.constant 0 : index
    %get3A_5 = arith.constant 0 : index
    %get3A_6 = arith.constant 0 : index
    %get3A_7 = vector.load %arg4[%get3A_4, %get3A_5, %get3A_6] : memref<1x1x1024xf32, #tpu.memory_space<vmem>>, vector<1x1x1024xf32>
    %get3A_8 = vector.shape_cast %get3A_7 : vector<1x1x1024xf32> to vector<1024xf32>
    %add3A = arith.addf %get3A_3, %get3A_8 : vector<1024xf32>
    %max3A = arith.constant 1.000000e+00 : f32
    %max3A_9 = vector.broadcast %max3A : f32 to vector<1024xf32>
    %max3A_10 = arith.maximumf %add3A, %max3A_9 : vector<1024xf32>
    %rsqrt3A = math.rsqrt %max3A_10 : vector<1024xf32>
    %get3A_11 = arith.constant 0 : index
    %get3A_12 = arith.constant 0 : index
    %get3A_13 = vector.load %arg1[%get3A_11, %get3A_12] : memref<1024x128xf32, #tpu.memory_space<vmem>>, vector<1024x128xf32>
    %get3A_14 = arith.constant 0 : index
    %get3A_15 = arith.constant 0 : index
    %get3A_16 = vector.load %arg2[%get3A_14, %get3A_15] : memref<1024x128xf32, #tpu.memory_space<vmem>>, vector<1024x128xf32>
    %add3A_17 = arith.addf %get3A_13, %get3A_16 : vector<1024x128xf32>
    %broadcast_in_dim3A = vector.shape_cast %rsqrt3A : vector<1024xf32> to vector<1024x1xf32>
    %mul3A = vector.broadcast %broadcast_in_dim3A : vector<1024x1xf32> to vector<1024x128xf32>
    %mul3A_18 = arith.mulf %add3A_17, %mul3A : vector<1024x128xf32>
    %get3A_19 = arith.constant 0 : index
    %get3A_20 = arith.constant 0 : index
    %get3A_21 = vector.load %arg5[%get3A_19, %get3A_20] : memref<128x128xf32, #tpu.memory_space<vmem>>, vector<128x128xf32>
    %dot_general3A = arith.constant dense<0.000000e+00> : vector<1024x128xf32>
    %dot_general3A_22 = tpu.matmul %mul3A_18, %get3A_21, %dot_general3A {dimension_numbers = #tpu.dot_dimension_numbers<[1], [0], [0], [1], [0, 0, 1, 1], [], []>, transpose_lhs_hint = false} : vector<1024x128xf32>, vector<128x128xf32>, vector<1024x128xf32> -> vector<1024x128xf32>
    %get3A_23 = arith.constant 0 : index
    %get3A_24 = arith.constant 0 : index
    %get3A_25 = vector.load %arg6[%get3A_23, %get3A_24] : memref<8x128xf32, #tpu.memory_space<vmem>>, vector<1x128xf32>
    %add3A_26 = vector.broadcast %get3A_25 : vector<1x128xf32> to vector<1024x128xf32>
    %add3A_27 = arith.addf %dot_general3A_22, %add3A_26 : vector<1024x128xf32>
    %max3A_28 = arith.constant 0.000000e+00 : f32
    %max3A_29 = vector.broadcast %max3A_28 : f32 to vector<1024x128xf32>
    %max3A_30 = arith.maximumf %add3A_27, %max3A_29 : vector<1024x128xf32>
    %swap3A = arith.constant 0 : index
    %swap3A_31 = arith.constant 0 : index
    %swap3A_32 = vector.load %arg7[%swap3A, %swap3A_31] : memref<1024x128xf32, #tpu.memory_space<vmem>>, vector<1024x128xf32>
    tpu.vector_store %arg7[%swap3A, %swap3A_31], %max3A_30 {strides = array<i32>} : memref<1024x128xf32, #tpu.memory_space<vmem>>, vector<1024x128xf32>,
    return
  }
  func.func @transform_0(%arg0: i32) -> (i32, i32) {
    %c0_i32 = arith.constant 0 : i32
    %c0_i32_0 = arith.constant 0 : i32
    return %arg0, %c0_i32 : i32, i32
  }
  func.func @transform_1(%arg0: i32) -> (i32, i32) {
    %add3A = arith.constant 10 : i32
    %add3A_0 = arith.addi %arg0, %add3A : i32
    %c0_i32 = arith.constant 0 : i32
    %c0_i32_1 = arith.constant 0 : i32
    return %add3A_0, %c0_i32 : i32, i32
  }
  func.func @transform_2(%arg0: i32) -> (i32, i32, i32) {
    %c0_i32 = arith.constant 0 : i32
    %c0_i32_0 = arith.constant 0 : i32
    %c0_i32_1 = arith.constant 0 : i32
    return %arg0, %c0_i32, %c0_i32_0 : i32, i32, i32
  }
  func.func @transform_3(%arg0: i32) -> (i32, i32, i32) {
    %add3A = arith.constant 10 : i32
    %add3A_0 = arith.addi %arg0, %add3A : i32
    %c0_i32 = arith.constant 0 : i32
    %c0_i32_1 = arith.constant 0 : i32
    %c0_i32_2 = arith.constant 0 : i32
    return %add3A_0, %c0_i32, %c0_i32_1 : i32, i32, i32
  }
  func.func @transform_4(%arg0: i32) -> (i32, i32) {
    %c0_i32 = arith.constant 0 : i32
    %c0_i32_0 = arith.constant 0 : i32
    %c0_i32_1 = arith.constant 0 : i32
    return %c0_i32, %c0_i32_0 : i32, i32
  }
  func.func @transform_5(%arg0: i32) -> (i32, i32) {
    %c0_i32 = arith.constant 0 : i32
    %c0_i32_0 = arith.constant 0 : i32
    %c0_i32_1 = arith.constant 0 : i32
    return %c0_i32, %c0_i32_0 : i32, i32
  }
  func.func @transform_6(%arg0: i32) -> (i32, i32) {
    %c0_i32 = arith.constant 0 : i32
    %c0_i32_0 = arith.constant 0 : i32
    return %arg0, %c0_i32 : i32, i32
  }
}

</mosaic_0001>

<sc_bundles>
// kernel: kernel.6.cloned.1.call-start
scs
__scs_entry_jumppad:
0x0: {  	(pc) =	sbr.rel $0x88, $3  }
0x1: {  	(tag) =	ssettag $0x0;
	lr =	simm.s32 $0x1  }
0x2: {  	[smem:$0x3F9D] =	sst lr;
	_ =	strace $0xD0000000  }
0x3: {  	_ = 	snop  }
0x4: {  	_ = 	snop  }
0x5: {  	_ = 	snop  }
0x6: {  	_ = 	snop  }
0x7: {  	_ = 	snop  }
__scs_overlays_trampoline_lowered:
0x8: {  	[smem:$0x3FAC] =	sst s0  }
0x9: {  	[smem:$0x3FAD] =	sst s1  }
0xa: {  	[smem:$0x3FAE] =	sst s2  }
0xb: {  	[smem:$0x3FAF] =	sst s3  }
0xc: {  	[smem:$0x3FB0] =	sst s4  }
0xd: {  	[smem:$0x3FB1] =	sst s5  }
0xe: {  	[smem:$0x3FB2] =	sst s6  }
0xf: {  	[smem:$0x3FB3] =	sst s7  }
0x10: {  	[smem:$0x3FB4] =	sst s8  }
0x11: {  	[smem:$0x3FB5] =	sst s9;
	s0 =	simm.s32 @!p0 $0x0  }
0x12: {  	s1 =	sld [smem:$0x3F9B];
	s0 =	simm.s32 @p0 $0x1  }
0x13: {  	[smem:$0x3FB6] =	sst s0;
	s0 =	simm.s32 @!p1 $0x0  }
0x14: {  	s2 =	sld [smem:$0x3F9A];
	s0 =	simm.s32 @p1 $0x1  }
0x15: {  	[smem:$0x3FB7] =	sst s0;
	s0 =	simm.s32 @!p2 $0x0  }
0x16: {  	s3 =	sld [smem:$0x3FDB];
	s0 =	simm.s32 @p2 $0x1  }
0x17: {  	s4 =	simm.s32 $0x1BF5;
	[smem:$0x3FB9] =	sst s0  }
0x18: {  	s0 =	sld [smem:$0x3F9C];
	_ =	swait.ge [sflag:s4], $0x0  }
0x19: {  	s7 =	sld [smem:$0x3F9D]  }
0x1a: {  	s8 =	sadd.s32 $0xFFFFE003, lr  }
0x1b: {  	s9 =	sadd.s32 $0xFFFFFEF7, lr;
	s5 =	simm.s32 $0xFFFFFFFF;
	p2 =	slt.u32 s8, $0xFFFFF086  }
0x1c: {  	p1 =	slt.u32 s9, $0xF7A;
	s5 =	simm.s32 @!p2 $0x0  }
0x1d: {  	s5 =	simm.s32 @p1 $0x1;
	p0 =	seq.s32 s7, s2  }
0x1e: {  	s7 =	smul.u32 @!p0 $0xF7A, s2;
	p2 =	seq.s32 @!p0 s5, $0x0  }
0x1f: {  	s9 =	smul.u32 $0xF7A, s1;
	s8 =	simm.s32 @!p0 $0x1BF5;
	p2 =	por !p2, p0  }
0x20: {  	[sflag:s8] =	ssyncset.s32 @!p0 $0xFFFFF086;
	s6 =	sadd.s32 @!p0 s3, s7;
	s7 =	simm.s32 @!p0 $0x108  }
0x21: {  	s3 =	sadd.s32 s3, s9;
	s6 =	sadd.s32 @!p0 $0x88, s6;
	s7 =	simm.s32 @p2 $0x1082  }
0x22: {  	[simem:s7], [sflag:s8] =	dma.local @!p0 [hbm:s6], $0xF7A  }
0x23: {  	s9 =	sor.u32 $0xD0000000, s2;
	s6 =	simm.s32 $0x108;
	_ =	swait.ge @!p0 [sflag:s8], $0x0  }
0x24: {  	s3 =	sadd.s32 $0x88, s3;
	s6 =	simm.s32 @!p1 $0x1082;
	[sflag:s4] =	ssyncset.s32 $0xFFFFF086  }
0x25: {  	[simem:s6], [sflag:s4] =	dma.local [hbm:s3], $0xF7A  }
0x26: {  	[smem:$0x3F9D] =	sst s1;
	(tag) =	ssettag s2;
	_ =	strace s9  }
0x27: {  	s1 =	sld [smem:$0x3FAD]  }
0x28: {  	s2 =	sld [smem:$0x3FAE]  }
0x29: {  	s4 =	sld [smem:$0x3FB0]  }
0x2a: {  	p0 =	seq.s32 s5, $0x0;
	s5 =	sld [smem:$0x3FB1]  }
0x2b: {  	s6 =	sld [smem:$0x3FB2]  }
0x2c: {  	s7 =	sld [smem:$0x3FB3]  }
0x2d: {  	s3 =	simm.s32 $0x108;
	s8 =	sld [smem:$0x3FB4]  }
0x2e: {  	s3 =	simm.s32 @!p0 $0x1082;
	s9 =	sld [smem:$0x3FB5]  }
0x2f: {  	lr =	sadd.s32 s0, s3;
	s0 =	sld [smem:$0x3FAC]  }
0x30: {  	s3 =	sld [smem:$0x3FAF]  }
0x31: {  	[smem:$0x3FB8] =	sst s10  }
0x32: {  	s10 =	sld [smem:$0x3FB6];
	_ =	sdelay $0x3  }
0x33: {  	p0 =	seq.s32 s10, $0x1;
	s10 =	sld [smem:$0x3FB8];
	_ =	sdelay $0x3  }
0x34: {  	[smem:$0x3FB8] =	sst s10  }
0x35: {  	s10 =	sld [smem:$0x3FB7];
	_ =	sdelay $0x3  }
0x36: {  	p1 =	seq.s32 s10, $0x1;
	s10 =	sld [smem:$0x3FB8];
	_ =	sdelay $0x3  }
0x37: {  	[smem:$0x3FB8] =	sst s10  }
0x38: {  	s10 =	sld [smem:$0x3FB9]  }
0x39: {  	_ = 	snop;
	(pc) =	sbr.ind lr, $3  }
0x3a: {  	_ = 	snop  }
0x3b: {  	_ = 	snop  }
0x3c: {  	p2 =	seq.s32 s10, $0x1;
	s10 =	sld [smem:$0x3FB8]  }
0x3d: {  	_ =	shalt  }
0x3e: {  	_ =	shalt  }
0x3f: {  	_ =	shalt  }
0x40: {  	_ =	shalt  }
0x41: {  	_ =	shalt  }
0x42: {  	_ =	shalt  }
0x43: {  	_ =	shalt  }
0x44: {  	_ =	shalt  }
0x45: {  	_ =	shalt  }
0x46: {  	_ =	shalt  }
0x47: {  	_ =	shalt  }
0x48: {  	_ =	shalt  }
0x49: {  	_ =	shalt  }
0x4a: {  	_ =	shalt  }
0x4b: {  	_ =	shalt  }
0x4c: {  	_ =	shalt  }
0x4d: {  	_ =	shalt  }
0x4e: {  	_ =	shalt  }
0x4f: {  	_ =	shalt  }
0x50: {  	_ =	shalt  }
0x51: {  	_ =	shalt  }
0x52: {  	_ =	shalt  }
0x53: {  	_ =	shalt  }
0x54: {  	_ =	shalt  }
0x55: {  	_ =	shalt  }
0x56: {  	_ =	shalt  }
0x57: {  	_ =	shalt  }
0x58: {  	_ =	shalt  }
0x59: {  	_ =	shalt  }
0x5a: {  	_ =	shalt  }
0x5b: {  	_ =	shalt  }
0x5c: {  	_ =	shalt  }
0x5d: {  	_ =	shalt  }
0x5e: {  	_ =	shalt  }
0x5f: {  	_ =	shalt  }
0x60: {  	_ =	shalt  }
0x61: {  	_ =	shalt  }
0x62: {  	_ =	shalt  }
0x63: {  	_ =	shalt  }
0x64: {  	_ =	shalt  }
0x65: {  	_ =	shalt  }
0x66: {  	_ =	shalt  }
0x67: {  	_ =	shalt  }
0x68: {  	_ =	shalt  }
0x69: {  	_ =	shalt  }
0x6a: {  	_ =	shalt  }
0x6b: {  	_ =	shalt  }
0x6c: {  	_ =	shalt  }
0x6d: {  	_ =	shalt  }
0x6e: {  	_ =	shalt  }
0x6f: {  	_ =	shalt  }
0x70: {  	_ =	shalt  }
0x71: {  	_ =	shalt  }
0x72: {  	_ =	shalt  }
0x73: {  	_ =	shalt  }
0x74: {  	_ =	shalt  }
0x75: {  	_ =	shalt  }
0x76: {  	_ =	shalt  }
0x77: {  	_ =	shalt  }
0x78: {  	_ =	shalt  }
0x79: {  	_ =	shalt  }
0x7a: {  	_ =	shalt  }
0x7b: {  	_ =	shalt  }
0x7c: {  	_ =	shalt  }
0x7d: {  	_ =	shalt  }
0x7e: {  	_ =	shalt  }
0x7f: {  	_ =	shalt  }
0x80: {  	_ =	shalt  }
0x81: {  	_ =	shalt  }
0x82: {  	_ =	shalt  }
0x83: {  	_ =	shalt  }
0x84: {  	_ =	shalt  }
0x85: {  	_ =	shalt  }
0x86: {  	_ =	shalt  }
0x87: {  	_ =	shalt  }
.Lfunc_end0:
.L_simem_size_0:
called_computation_lowered:
.L_overlay_start_0:
0x88: {  	s2 =	sld [smem:$0x3FD9]  }
0x89: {  	s3 =	sld [smem:$0x3FFE];
	_ =	sdelay $0x1  }
0x8a: {  	s1 =	srdreg.scid  }
0x8b: {  	s0 =	sand.u32 $0x1, s1  }
0x8c: {  	s17 =	sshll.u32 s0, $0xA;
	s2 =	sadd.s32 s3, s2  }
0x8d: {  	s2 =	sadd.s32 s2, s17  }
0x8e: {  	[smem:$0x3FC4] =	sst s2  }
0x8f: {  	_ = 	snop  }
0x90: {  	s2 =	sld [smem:$0x3FD0];
	(tm) =	ssettm $0x1  }
0x91: {  	s18 =	sld [smem:$0x3FFB];
	_ =	sdelay $0x3  }
0x92: {  	_ =	strace s18  }
0x93: {  	s3 =	sld [smem:$0x3FFC];
	_ =	sdelay $0x3  }
0x94: {  	_ =	strace s3  }
0x95: {  	s3 =	sld [smem:$0x3FFD];
	_ =	sdelay $0x3  }
0x96: {  	_ =	strace s3  }
0x97: {  	_ =	strace $0x8FFFFFFF  }
0x98: {  	s19 =	sld [smem:$0x3FDB];
	_ =	sdelay $0x1  }
0x99: {  	s4 =	simm.s32 $_scs_section_size  }
0x9a: {  	s5 =	simm.s32 $_size__tile_overlayer_lowered;
	s6 =	simm.s32 $_tile_overlayer_lowered  }
0x9b: {  	s22 =	simm.s32 $0x1BFF;
	s21 =	sshll.u32 s6, $0x1;
	s3 =	sadd.s32 s4, s19  }
0x9c: {  	s7 =	simm.s32 $0x0;
	s20 =	sshll.u32 s5, $0x1;
	s5 =	sadd.s32 s21, s3  }
0x9d: {  	[timem:s7], [sflag:s22] =	dma.local [hbm:s5], s20  }
0x9e: {  	_ =	swait.ge [sflag:s22], s20  }
0x9f: {  	s4 =	ssub.s32 $0x0, s20;
	[sflag:s22] =	ssyncset.done $0x0  }
0xa0: {  	[sflag:s22] =	ssyncadd.s32 s4;
	_ =	sdelay $0x1  }
0xa1: {  	s23 =	simm.s32 $0x1B8B  }
0xa2: {  	_ =	swait.ge [sflag:s23], $0x1  }
0xa3: {  	[sflag:s23] =	ssyncset.done $0x0  }
0xa4: {  	s25 =	simm.s32 $0x1B8E;
	s24 =	sld [smem:$0x3FFE];
	[sflag:s23] =	ssyncadd.s32 $0xFFFFFFFF  }
0xa5: {  	s26 =	simm.s32 $execute0_lowered;
	[smem:$0x3FD2] =	sst s25  }
0xa6: {  	s5 =	sshll.u32 s26, $0x1;
	_ =	strace $0x80000046;
	[dreg:$0x1] =	wrdreg $0xFFFFFFFF  }
0xa7: {  	s28 =	simm.s32 $_size_execute0_lowered;
	s3 =	sadd.s32 s3, s5;
	[dreg:$0x0] =	wrdreg $0x0  }
0xa8: {  	s5 =	sshll.u32 s28, $0x1;
	[dreg:$0x2] =	wrdreg s3  }
0xa9: {  	[dreg:$0x3] =	wrdreg s5  }
0xaa: {  	[dreg:$0x4] =	wrdreg $0xC0  }
0xab: {  	_ =	task [dreg:s7], $0x5FFFF  }
0xac: {  	[dreg:$0x1] =	wrdreg $0xFFFFFFFF  }
0xad: {  	[dreg:$0x0] =	wrdreg $0x60  }
0xae: {  	[dreg:$0x2] =	wrdreg s24  }
0xaf: {  	[dreg:$0x3] =	wrdreg s2  }
0xb0: {  	[dreg:$0x4] =	wrdreg $0x0  }
0xb1: {  	[dreg:$0x5] =	wrdreg $0x2800  }
0xb2: {  	[dreg:$0x6] =	wrdreg $0x9  }
0xb3: {  	_ =	task.clear_ibuf [dreg:s7], $0x7FFFF;
	_ =	strace $0x90000046  }
0xb4: {  	s29 =	simm.s32 $0x9;
	_ =	strace $0x80000048  }
0xb5: {  	_ =	swait.ge [sflag:s29], $0x1  }
0xb6: {  	[sflag:s29] =	ssyncadd.s32 $0xFFFFFFFF  }
0xb7: {  	_ =	strace $0x90000048  }
0xb8: {  	_ =	sfence  }
0xb9: {  	s30 =	sld [smem:$0x0];
	_ =	sdelay $0x2  }
0xba: {  	s31 =	sshll.u32 s1, $0xD;
	s1 =	sshrl.u32 s1, $0x2  }
0xbb: {  	s3 =	sand.u32 $0x4000, s31;
	s1 =	sadd.s32 s1, s30  }
0xbc: {  	s0 =	sor.u32 s3, s0;
	s1 =	sshll.u32 s1, $0x11  }
0xbd: {  	s0 =	sor.u32 s1, s0  }
0xbe: {  	s0 =	sadd.s32 $0x8F2B, s0  }
0xbf: {  	[sflag:s0] =	ssyncadd.remote.s32 $0x1  }
0xc0: {  	_ =	sfence.sel $0xFFFF  }
0xc1: {  	[dreg:$0x0] =	wrdreg $0xFFFFFFFF;
	(pc) =	sbr.abs _section_cstart, $3  }
0xc2: {  	[dreg:$0x1] =	wrdreg $0xFFFFFFFF  }
0xc3: {  	_ =	task.clear_ibuf [dreg:s7], $0x2FFFF;
	_ =	strace $0x9FFFFFFF  }
0xc4: {  	(tm) =	ssettm $0x7FFFFFFF  }
0xc5: {  	_ =	shalt  }
tec
execute0_lowered:
.L_overlay_start_1:
0x0: {  	(tag) =	ssettag $0x1  }
0x1: {  	s9 =	rddreg [dreg:$0x0]  }
0x2: {  	s1 =	rddreg [dreg:$0x1]  }
0x3: {  	s2 =	rddreg [dreg:$0x2]  }
0x4: {  	s0 =	srdreg.scid;
	s3 =	rddreg [dreg:$0x3]  }
0x5: {  	s5 =	simm.s32 $0x0;
	s4 =	stileid.u32;
	s17 =	simm.s32 $0x500  }
0x6: {  	s18 =	simm.s32 $0x1;
	s19 =	simm.s32 $0x2D00;
	s20 =	simm.s32 $0x6500  }
0x7: {  	s21 =	simm.s32 $0x5500;
	s22 =	simm.s32 $0x5D00;
	s23 =	simm.s32 $0x50  }
0x8: {  	s24 =	simm.s32 $0x0;
	s10 =	sand.u32 $0x1, s0;
	s0 =	rddreg [dreg:$0x4]  }
0x9: {  	[smem:$0x7FF] =	sst s5;
	s6 =	sadd.s32 $0x1A00, s9;
	s31 =	sshll.u32 s4, $0xA  }
0xa: {  	p0 =	sgt.u32 s4, $0x9;
	s7 =	smul.u32 $0xA, s10;
	_ =	strace $0x80000047  }
0xb: {  	s12 =	ssub.s32 $0x2, s10;
	s30 =	sshll.u32 s10, $0x4;
	s10 =	sadd.s32 $0x500, s31  }
0xc: {  	s29 =	sshrl.u32 s12, $0x1;
	s13 =	sor.u32 s4, s30;
	s8 =	sadd.s32 s4, s7  }
0xd: {  	s7 =	sadd.s32 $0xBC00, s9;
	s16 =	ssub.s32 s12, s29;
	s12 =	sadd.s32 $0x2D00, s31  }
0xe: {  	s13 =	smul.u32 $0x2800, s13;
	s11 =	sshll.u32 s8, $0x7;
	s8 =	sadd.s32 $0xBA00, s9  }
0xf: {  	s16 =	smax.u32 s16, $0x1;
	s15 =	sadd.s32 s11, s9;
	s9 =	sadd.s32 s31, s2  }
0x10: {  	v0 =	vimm.f32 $1.000000000e+00;
	s11 =	sadd.s32 s31, s3;
	s14 =	sadd.s32 $0xC200, s15;
	s15 =	sadd.s32 $0xCC00, s15  }
.LBB2_1:
0x11: {  	[tilespmem:s17], [sflag:$0x1] =	stream.linear.gather [hbm4b:s7+s5], $0x2800, $0x38;
	[tilespmem:$0x6980] =	vst v63  }
0x12: {  	_ =	swait.ge [sflag:s18], $0x2800  }
0x13: {  	[sflag:s18] =	ssyncset.done $0x0  }
0x14: {  	[sflag:s18] =	ssyncadd.s32 $0xFFFFD800  }
0x15: {  	[tilespmem:s19], [sflag:$0x1] =	stream.linear.gather [hbm4b:s7+s5], $0x2800, $0x38;
	[tilespmem:$0x6980] =	vst v63  }
0x16: {  	_ =	swait.ge [sflag:s18], $0x2800  }
0x17: {  	[sflag:s18] =	ssyncset.done $0x0  }
0x18: {  	[sflag:s18] =	ssyncadd.s32 $0xFFFFD800  }
0x19: {  	[tilespmem:s20], [sflag:$0x1] =	stream.linear.gather [hbm4b:s8+s5], $0x80, $0x38;
	[tilespmem:$0x6980] =	vst v63  }
0x1a: {  	_ =	swait.ge [sflag:s18], $0x80  }
0x1b: {  	[sflag:s18] =	ssyncset.done $0x0  }
0x1c: {  	s25 =	simm.s32 @!p0 $0x1;
	[sflag:s18] =	ssyncadd.s32 $0xFFFFFF80  }
0x1d: {  	[spmem:s9] =	stream.linear.scatter @!p0 [tilespmem:s10], [sflag:$0x1], $0x400, $0x38;
	[tilespmem:$0x6980] =	vst v63  }
0x1e: {  	_ =	swait.ge @!p0 [sflag:s25], $0x400  }
0x1f: {  	[sflag:s25] =	ssyncset.done @!p0 $0x0  }
0x20: {  	[sflag:s25] =	ssyncadd.s32 @!p0 $0xFFFFFC00  }
0x21: {  	[spmem:s11] =	stream.linear.scatter @!p0 [tilespmem:s12], [sflag:$0x1], $0x400, $0x38;
	[tilespmem:$0x6980] =	vst v63  }
0x22: {  	_ =	swait.ge @!p0 [sflag:s25], $0x400  }
0x23: {  	[sflag:s25] =	ssyncset.done @!p0 $0x0  }
0x24: {  	[sflag:s25] =	ssyncadd.s32 @!p0 $0xFFFFFC00;
	s25 =	simm.s32 $0x0  }
.LBB2_2:
0x25: {  	s26 =	sshll.u32 s25, $0xB  }
0x26: {  	s26 =	sadd.s32 s13, s26  }
0x27: {  	s28 =	sshrl.u32 s26, $0x3  }
0x28: {  	s26 =	simm.s32 $0x0;
	s29 =	sadd.s32 s6, s28  }
0x29: {  	[tilespmem:s21], [sflag:$0x1] =	stream.linear.gather [hbm4b:s29+s26], $0x800, $0x38;
	[tilespmem:$0x6980] =	vst v63  }
0x2a: {  	_ =	swait.ge [sflag:s18], $0x800  }
0x2b: {  	[sflag:s18] =	ssyncset.done $0x0  }
0x2c: {  	s28 =	sadd.s32 s1, s28;
	[sflag:s18] =	ssyncadd.s32 $0xFFFFF800  }
0x2d: {  	[tilespmem:s22], [sflag:$0x1] =	stream.linear.gather [hbm4b:s28+s26], $0x800, $0x38;
	[tilespmem:$0x6980] =	vst v63  }
0x2e: {  	_ =	swait.ge [sflag:s18], $0x800  }
0x2f: {  	[sflag:s18] =	ssyncset.done $0x0  }
0x30: {  	[sflag:s18] =	ssyncadd.s32 $0xFFFFF800  }
.LBB2_3:
0x31: {  	s28 =	sshra.s32 s26, $0x2  }
0x32: {  	v1 =	vld [tilespmem:s28+$0x5500];
	_ =	sdelay $0x7  }
0x33: {  	[tilespmem:v1+s17+$0x0] =	vst.idx.add.f32.msk $0xffff, v0  }
0x34: {  	v1 =	vld [tilespmem:s28+$0x5D00];
	_ =	sdelay $0x7  }
0x35: {  	[tilespmem:v1+s19+$0x0] =	vst.idx.add.f32.msk $0xffff, v0  }
0x36: {  	v1 =	vld [tilespmem:s28+$0x5510];
	_ =	sdelay $0x7  }
0x37: {  	[tilespmem:v1+s17+$0x0] =	vst.idx.add.f32.msk $0xffff, v0  }
0x38: {  	v1 =	vld [tilespmem:s28+$0x5D10];
	_ =	sdelay $0x7  }
0x39: {  	[tilespmem:v1+s19+$0x0] =	vst.idx.add.f32.msk $0xffff, v0  }
0x3a: {  	v1 =	vld [tilespmem:s28+$0x5520];
	_ =	sdelay $0x7  }
0x3b: {  	[tilespmem:v1+s17+$0x0] =	vst.idx.add.f32.msk $0xffff, v0  }
0x3c: {  	v1 =	vld [tilespmem:s28+$0x5D20];
	_ =	sdelay $0x7  }
0x3d: {  	[tilespmem:v1+s19+$0x0] =	vst.idx.add.f32.msk $0xffff, v0  }
0x3e: {  	v1 =	vld [tilespmem:s28+$0x5530];
	_ =	sdelay $0x7  }
0x3f: {  	[tilespmem:v1+s17+$0x0] =	vst.idx.add.f32.msk $0xffff, v0  }
0x40: {  	v1 =	vld [tilespmem:s28+$0x5D30];
	_ =	sdelay $0x7  }
0x41: {  	[tilespmem:v1+s19+$0x0] =	vst.idx.add.f32.msk $0xffff, v0  }
0x42: {  	v1 =	vld [tilespmem:s28+$0x5540];
	_ =	sdelay $0x7  }
0x43: {  	[tilespmem:v1+s17+$0x0] =	vst.idx.add.f32.msk $0xffff, v0  }
0x44: {  	v1 =	vld [tilespmem:s28+$0x5D40];
	_ =	sdelay $0x7  }
0x45: {  	[tilespmem:v1+s19+$0x0] =	vst.idx.add.f32.msk $0xffff, v0  }
0x46: {  	v1 =	vld [tilespmem:s28+$0x5550];
	_ =	sdelay $0x7  }
0x47: {  	[tilespmem:v1+s17+$0x0] =	vst.idx.add.f32.msk $0xffff, v0  }
0x48: {  	v1 =	vld [tilespmem:s28+$0x5D50];
	_ =	sdelay $0x7  }
0x49: {  	[tilespmem:v1+s19+$0x0] =	vst.idx.add.f32.msk $0xffff, v0  }
0x4a: {  	v1 =	vld [tilespmem:s28+$0x5560];
	_ =	sdelay $0x7  }
0x4b: {  	[tilespmem:v1+s17+$0x0] =	vst.idx.add.f32.msk $0xffff, v0  }
0x4c: {  	v1 =	vld [tilespmem:s28+$0x5D60];
	_ =	sdelay $0x7  }
0x4d: {  	[tilespmem:v1+s19+$0x0] =	vst.idx.add.f32.msk $0xffff, v0  }
0x4e: {  	v1 =	vld [tilespmem:s28+$0x5570];
	_ =	sdelay $0x7  }
0x4f: {  	[tilespmem:v1+s17+$0x0] =	vst.idx.add.f32.msk $0xffff, v0  }
0x50: {  	v1 =	vld [tilespmem:s28+$0x5D70];
	_ =	sdelay $0x2  }
0x51: {  	p1 =	sne.s32 s26, $0x1E00  }
.Ltmp0:
0x52: {  	_ = 	snop;
	(pc) =	sbr.rel @p1 .LBB2_3-.Ltmp0, $2  }
0x53: {  	_ =	sdelay $0x2  }
0x54: {  	s26 =	sadd.s32 $0x200, s26;
	[tilespmem:v1+s19+$0x0] =	vst.idx.add.f32.msk $0xffff, v0  }
0x55: {  	s25 =	sadd.s32 $0x1, s25  }
0x56: {  	p1 =	sne.s32 s25, $0x5  }
.Ltmp1:
0x57: {  	_ = 	snop;
	(pc) =	sbr.rel @p1 .LBB2_2-.Ltmp1, $1  }
0x58: {  	_ =	sdelay $0x3  }
0x59: {  	[bflag:$0x0] =	sbarrier.arrive $0xFFFF  }
0x5a: {  	[spmem:s2] =	stream.indirect.scatter.add.f32 [tilespmem:s17], [sflag:$0x1], $0x80, s20, s23, $0xb8;
	[tilespmem:$0x6980] =	vst v63  }
0x5b: {  	_ =	swait.ge [sflag:s18], $0x2800  }
0x5c: {  	[sflag:s18] =	ssyncset.done $0x0  }
0x5d: {  	[sflag:s18] =	ssyncadd.s32 $0xFFFFD800  }
0x5e: {  	[spmem:s3] =	stream.indirect.scatter.add.f32 [tilespmem:s19], [sflag:$0x1], $0x80, s20, s23, $0xb8;
	[tilespmem:$0x6980] =	vst v63  }
0x5f: {  	_ =	swait.ge [sflag:s18], $0x2800  }
0x60: {  	[sflag:s18] =	ssyncset.done $0x0  }
0x61: {  	[sflag:s18] =	ssyncadd.s32 $0xFFFFD800  }
0x62: {  	s25 =	simm.s32 @!p0 $0x6580;
	s26 =	simm.s32 @!p0 $0x1;
	[bflag:$0x0] =	sbarrier.arrive $0xFFFF  }
0x63: {  	[tilespmem:s25], [sflag:$0x1] =	stream.linear.gather @!p0 [spmem:s9], $0x400, $0x38;
	[tilespmem:$0x6980] =	vst v63  }
0x64: {  	_ =	swait.ge @!p0 [sflag:s26], $0x400  }
0x65: {  	[sflag:s26] =	ssyncset.done @!p0 $0x0  }
0x66: {  	s28 =	simm.s32 @!p0 $0x0;
	[sflag:s26] =	ssyncadd.s32 @!p0 $0xFFFFFC00  }
0x67: {  	[hbm4b:s14+s28] =	stream.linear.scatter @!p0 [tilespmem:s25], [sflag:$0x1], $0x400, $0x38;
	[tilespmem:$0x6980] =	vst v63  }
0x68: {  	_ =	swait.ge @!p0 [sflag:s26], $0x400  }
0x69: {  	[sflag:s26] =	ssyncset.done @!p0 $0x0  }
0x6a: {  	[sflag:s26] =	ssyncadd.s32 @!p0 $0xFFFFFC00  }
0x6b: {  	[tilespmem:s25], [sflag:$0x1] =	stream.linear.gather @!p0 [spmem:s11], $0x400, $0x38;
	[tilespmem:$0x6980] =	vst v63  }
0x6c: {  	s24 =	sadd.s32 $0x1, s24;
	_ =	swait.ge @!p0 [sflag:s26], $0x400  }
0x6d: {  	p1 =	sne.s32 s24, s16;
	[sflag:s26] =	ssyncset.done @!p0 $0x0  }
.Ltmp2:
0x6e: {  	[sflag:s26] =	ssyncadd.s32 @!p0 $0xFFFFFC00;
	(pc) =	sbr.rel @p1 .LBB2_1-.Ltmp2, $4  }
0x6f: {  	[hbm4b:s15+s28] =	stream.linear.scatter @!p0 [tilespmem:s25], [sflag:$0x1], $0x400, $0x38;
	[tilespmem:$0x6980] =	vst v63  }
0x70: {  	_ =	swait.ge @!p0 [sflag:s26], $0x400  }
0x71: {  	[sflag:s26] =	ssyncset.done @!p0 $0x0  }
0x72: {  	[sflag:s26] =	ssyncadd.s32 @!p0 $0xFFFFFC00  }
0x73: {  	_ =	sfence.sel $0x180000  }
0x74: {  	[bflag:$0x0] =	sbarrier.arrive $0xFFFF  }
0x75: {  	p0 =	sne.s32 s4, $0x0;
	_ =	strace $0x90000047  }
0x76: {  	s0 =	sadd.s32 @!p0 $0x100000, s0;
	[bflag:$0x2] =	sbarrier.arrive $0xFFFF  }
0x77: {  	[sflag:s0] =	ssyncadd.tile.s32 @!p0 $0x1;
	_ =	shalt  }
.Lfunc_end2:
_tile_overlayer_lowered:
.L_overlay_start_2:
0x78: {  	(tag) =	ssettag $0x2  }
0x79: {  	s0 =	rddreg [dreg:$0x0];
	s2 =	stileid.u32  }
0x7a: {  	s1 =	rddreg [dreg:$0x1];
	p0 =	sne.s32 s2, $0x0  }
0x7b: {  	s3 =	rddreg [dreg:$0x2];
	[bflag:$0x3] =	sbarrier.arrive $0xFFFF;
	s2 =	simm.s32 @!p0 $0x1C01  }
0x7c: {  	[timem:s3], [sflag:s2] =	dma.local @!p0 [hbm:s0], s1  }
0x7d: {  	s0 =	simm.s32 @!p0 $0x1  }
0x7e: {  	_ =	swait.ge @!p0 [sflag:s0], s1  }
0x7f: {  	s1 =	ssub.s32 @!p0 $0x0, s1;
	[sflag:s0] =	ssyncset.done @!p0 $0x0  }
0x80: {  	[sflag:s0] =	ssyncadd.s32 @!p0 s1  }
0x81: {  	[bflag:$0x3] =	sbarrier.arrive $0xFFFF  }
0x82: {  	_ =	shalt  }

// kernel: kernel.9.cloned.1.call-start
scs
__scs_entry_jumppad:
0x0: {  	(pc) =	sbr.rel $0x88, $3  }
0x1: {  	(tag) =	ssettag $0x0;
	lr =	simm.s32 $0x1  }
0x2: {  	[smem:$0x3F9D] =	sst lr;
	_ =	strace $0xD0000000  }
0x3: {  	_ = 	snop  }
0x4: {  	_ = 	snop  }
0x5: {  	_ = 	snop  }
0x6: {  	_ = 	snop  }
0x7: {  	_ = 	snop  }
__scs_overlays_trampoline_lowered:
0x8: {  	[smem:$0x3FAC] =	sst s0  }
0x9: {  	[smem:$0x3FAD] =	sst s1  }
0xa: {  	[smem:$0x3FAE] =	sst s2  }
0xb: {  	[smem:$0x3FAF] =	sst s3  }
0xc: {  	[smem:$0x3FB0] =	sst s4  }
0xd: {  	[smem:$0x3FB1] =	sst s5  }
0xe: {  	[smem:$0x3FB2] =	sst s6  }
0xf: {  	[smem:$0x3FB3] =	sst s7  }
0x10: {  	[smem:$0x3FB4] =	sst s8  }
0x11: {  	[smem:$0x3FB5] =	sst s9;
	s0 =	simm.s32 @!p0 $0x0  }
0x12: {  	s1 =	sld [smem:$0x3F9B];
	s0 =	simm.s32 @p0 $0x1  }
0x13: {  	[smem:$0x3FB6] =	sst s0;
	s0 =	simm.s32 @!p1 $0x0  }
0x14: {  	s2 =	sld [smem:$0x3F9A];
	s0 =	simm.s32 @p1 $0x1  }
0x15: {  	[smem:$0x3FB7] =	sst s0;
	s0 =	simm.s32 @!p2 $0x0  }
0x16: {  	s3 =	sld [smem:$0x3FDB];
	s0 =	simm.s32 @p2 $0x1  }
0x17: {  	s4 =	simm.s32 $0x1BF5;
	[smem:$0x3FB9] =	sst s0  }
0x18: {  	s0 =	sld [smem:$0x3F9C];
	_ =	swait.ge [sflag:s4], $0x0  }
0x19: {  	s7 =	sld [smem:$0x3F9D]  }
0x1a: {  	s8 =	sadd.s32 $0xFFFFE003, lr  }
0x1b: {  	s9 =	sadd.s32 $0xFFFFFEF7, lr;
	s5 =	simm.s32 $0xFFFFFFFF;
	p2 =	slt.u32 s8, $0xFFFFF086  }
0x1c: {  	p1 =	slt.u32 s9, $0xF7A;
	s5 =	simm.s32 @!p2 $0x0  }
0x1d: {  	s5 =	simm.s32 @p1 $0x1;
	p0 =	seq.s32 s7, s2  }
0x1e: {  	s7 =	smul.u32 @!p0 $0xF7A, s2;
	p2 =	seq.s32 @!p0 s5, $0x0  }
0x1f: {  	s9 =	smul.u32 $0xF7A, s1;
	s8 =	simm.s32 @!p0 $0x1BF5;
	p2 =	por !p2, p0  }
0x20: {  	[sflag:s8] =	ssyncset.s32 @!p0 $0xFFFFF086;
	s6 =	sadd.s32 @!p0 s3, s7;
	s7 =	simm.s32 @!p0 $0x108  }
0x21: {  	s3 =	sadd.s32 s3, s9;
	s6 =	sadd.s32 @!p0 $0x88, s6;
	s7 =	simm.s32 @p2 $0x1082  }
0x22: {  	[simem:s7], [sflag:s8] =	dma.local @!p0 [hbm:s6], $0xF7A  }
0x23: {  	s9 =	sor.u32 $0xD0000000, s2;
	s6 =	simm.s32 $0x108;
	_ =	swait.ge @!p0 [sflag:s8], $0x0  }
0x24: {  	s3 =	sadd.s32 $0x88, s3;
	s6 =	simm.s32 @!p1 $0x1082;
	[sflag:s4] =	ssyncset.s32 $0xFFFFF086  }
0x25: {  	[simem:s6], [sflag:s4] =	dma.local [hbm:s3], $0xF7A  }
0x26: {  	[smem:$0x3F9D] =	sst s1;
	(tag) =	ssettag s2;
	_ =	strace s9  }
0x27: {  	s1 =	sld [smem:$0x3FAD]  }
0x28: {  	s2 =	sld [smem:$0x3FAE]  }
0x29: {  	s4 =	sld [smem:$0x3FB0]  }
0x2a: {  	p0 =	seq.s32 s5, $0x0;
	s5 =	sld [smem:$0x3FB1]  }
0x2b: {  	s6 =	sld [smem:$0x3FB2]  }
0x2c: {  	s7 =	sld [smem:$0x3FB3]  }
0x2d: {  	s3 =	simm.s32 $0x108;
	s8 =	sld [smem:$0x3FB4]  }
0x2e: {  	s3 =	simm.s32 @!p0 $0x1082;
	s9 =	sld [smem:$0x3FB5]  }
0x2f: {  	lr =	sadd.s32 s0, s3;
	s0 =	sld [smem:$0x3FAC]  }
0x30: {  	s3 =	sld [smem:$0x3FAF]  }
0x31: {  	[smem:$0x3FB8] =	sst s10  }
0x32: {  	s10 =	sld [smem:$0x3FB6];
	_ =	sdelay $0x3  }
0x33: {  	p0 =	seq.s32 s10, $0x1;
	s10 =	sld [smem:$0x3FB8];
	_ =	sdelay $0x3  }
0x34: {  	[smem:$0x3FB8] =	sst s10  }
0x35: {  	s10 =	sld [smem:$0x3FB7];
	_ =	sdelay $0x3  }
0x36: {  	p1 =	seq.s32 s10, $0x1;
	s10 =	sld [smem:$0x3FB8];
	_ =	sdelay $0x3  }
0x37: {  	[smem:$0x3FB8] =	sst s10  }
0x38: {  	s10 =	sld [smem:$0x3FB9]  }
0x39: {  	_ = 	snop;
	(pc) =	sbr.ind lr, $3  }
0x3a: {  	_ = 	snop  }
0x3b: {  	_ = 	snop  }
0x3c: {  	p2 =	seq.s32 s10, $0x1;
	s10 =	sld [smem:$0x3FB8]  }
0x3d: {  	_ =	shalt  }
0x3e: {  	_ =	shalt  }
0x3f: {  	_ =	shalt  }
0x40: {  	_ =	shalt  }
0x41: {  	_ =	shalt  }
0x42: {  	_ =	shalt  }
0x43: {  	_ =	shalt  }
0x44: {  	_ =	shalt  }
0x45: {  	_ =	shalt  }
0x46: {  	_ =	shalt  }
0x47: {  	_ =	shalt  }
0x48: {  	_ =	shalt  }
0x49: {  	_ =	shalt  }
0x4a: {  	_ =	shalt  }
0x4b: {  	_ =	shalt  }
0x4c: {  	_ =	shalt  }
0x4d: {  	_ =	shalt  }
0x4e: {  	_ =	shalt  }
0x4f: {  	_ =	shalt  }
0x50: {  	_ =	shalt  }
0x51: {  	_ =	shalt  }
0x52: {  	_ =	shalt  }
0x53: {  	_ =	shalt  }
0x54: {  	_ =	shalt  }
0x55: {  	_ =	shalt  }
0x56: {  	_ =	shalt  }
0x57: {  	_ =	shalt  }
0x58: {  	_ =	shalt  }
0x59: {  	_ =	shalt  }
0x5a: {  	_ =	shalt  }
0x5b: {  	_ =	shalt  }
0x5c: {  	_ =	shalt  }
0x5d: {  	_ =	shalt  }
0x5e: {  	_ =	shalt  }
0x5f: {  	_ =	shalt  }
0x60: {  	_ =	shalt  }
0x61: {  	_ =	shalt  }
0x62: {  	_ =	shalt  }
0x63: {  	_ =	shalt  }
0x64: {  	_ =	shalt  }
0x65: {  	_ =	shalt  }
0x66: {  	_ =	shalt  }
0x67: {  	_ =	shalt  }
0x68: {  	_ =	shalt  }
0x69: {  	_ =	shalt  }
0x6a: {  	_ =	shalt  }
0x6b: {  	_ =	shalt  }
0x6c: {  	_ =	shalt  }
0x6d: {  	_ =	shalt  }
0x6e: {  	_ =	shalt  }
0x6f: {  	_ =	shalt  }
0x70: {  	_ =	shalt  }
0x71: {  	_ =	shalt  }
0x72: {  	_ =	shalt  }
0x73: {  	_ =	shalt  }
0x74: {  	_ =	shalt  }
0x75: {  	_ =	shalt  }
0x76: {  	_ =	shalt  }
0x77: {  	_ =	shalt  }
0x78: {  	_ =	shalt  }
0x79: {  	_ =	shalt  }
0x7a: {  	_ =	shalt  }
0x7b: {  	_ =	shalt  }
0x7c: {  	_ =	shalt  }
0x7d: {  	_ =	shalt  }
0x7e: {  	_ =	shalt  }
0x7f: {  	_ =	shalt  }
0x80: {  	_ =	shalt  }
0x81: {  	_ =	shalt  }
0x82: {  	_ =	shalt  }
0x83: {  	_ =	shalt  }
0x84: {  	_ =	shalt  }
0x85: {  	_ =	shalt  }
0x86: {  	_ =	shalt  }
0x87: {  	_ =	shalt  }
.Lfunc_end0:
.L_simem_size_0:
called_computation.1_lowered:
.L_overlay_start_0:
0x88: {  	s2 =	sld [smem:$0x3FD9]  }
0x89: {  	s3 =	sld [smem:$0x3FFE];
	_ =	sdelay $0x1  }
0x8a: {  	s1 =	srdreg.scid  }
0x8b: {  	s0 =	sand.u32 $0x1, s1  }
0x8c: {  	s17 =	sshll.u32 s0, $0xA;
	s2 =	sadd.s32 s3, s2  }
0x8d: {  	s2 =	sadd.s32 s2, s17  }
0x8e: {  	[smem:$0x3FC4] =	sst s2  }
0x8f: {  	_ = 	snop  }
0x90: {  	s2 =	sld [smem:$0x3FD0];
	(tm) =	ssettm $0x1  }
0x91: {  	s18 =	sld [smem:$0x3FFB];
	_ =	sdelay $0x3  }
0x92: {  	_ =	strace s18  }
0x93: {  	s3 =	sld [smem:$0x3FFC];
	_ =	sdelay $0x3  }
0x94: {  	_ =	strace s3  }
0x95: {  	s3 =	sld [smem:$0x3FFD];
	_ =	sdelay $0x3  }
0x96: {  	_ =	strace s3  }
0x97: {  	_ =	strace $0x8FFFFFFF  }
0x98: {  	s19 =	sld [smem:$0x3FDB];
	_ =	sdelay $0x1  }
0x99: {  	s4 =	simm.s32 $_scs_section_size  }
0x9a: {  	s5 =	simm.s32 $_size__tile_overlayer_lowered;
	s6 =	simm.s32 $_tile_overlayer_lowered  }
0x9b: {  	s22 =	simm.s32 $0x1BFF;
	s21 =	sshll.u32 s6, $0x1;
	s3 =	sadd.s32 s4, s19  }
0x9c: {  	s7 =	simm.s32 $0x0;
	s20 =	sshll.u32 s5, $0x1;
	s5 =	sadd.s32 s21, s3  }
0x9d: {  	[timem:s7], [sflag:s22] =	dma.local [hbm:s5], s20  }
0x9e: {  	_ =	swait.ge [sflag:s22], s20  }
0x9f: {  	s4 =	ssub.s32 $0x0, s20;
	[sflag:s22] =	ssyncset.done $0x0  }
0xa0: {  	[sflag:s22] =	ssyncadd.s32 s4;
	_ =	sdelay $0x1  }
0xa1: {  	s23 =	simm.s32 $0x1B8B  }
0xa2: {  	_ =	swait.ge [sflag:s23], $0x1  }
0xa3: {  	[sflag:s23] =	ssyncset.done $0x0  }
0xa4: {  	s25 =	simm.s32 $0x1B8E;
	s24 =	sld [smem:$0x3FFE];
	[sflag:s23] =	ssyncadd.s32 $0xFFFFFFFF  }
0xa5: {  	s26 =	simm.s32 $execute0_lowered;
	[smem:$0x3FD2] =	sst s25  }
0xa6: {  	s5 =	sshll.u32 s26, $0x1;
	_ =	strace $0x80000049;
	[dreg:$0x1] =	wrdreg $0xFFFFFFFF  }
0xa7: {  	s28 =	simm.s32 $_size_execute0_lowered;
	s3 =	sadd.s32 s3, s5;
	[dreg:$0x0] =	wrdreg $0x0  }
0xa8: {  	s5 =	sshll.u32 s28, $0x1;
	[dreg:$0x2] =	wrdreg s3  }
0xa9: {  	[dreg:$0x3] =	wrdreg s5  }
0xaa: {  	[dreg:$0x4] =	wrdreg $0xC0  }
0xab: {  	_ =	task [dreg:s7], $0x5FFFF  }
0xac: {  	[dreg:$0x1] =	wrdreg $0xFFFFFFFF  }
0xad: {  	[dreg:$0x0] =	wrdreg $0x60  }
0xae: {  	[dreg:$0x2] =	wrdreg s24  }
0xaf: {  	[dreg:$0x3] =	wrdreg s2  }
0xb0: {  	[dreg:$0x4] =	wrdreg $0x0  }
0xb1: {  	[dreg:$0x5] =	wrdreg $0x9  }
0xb2: {  	_ =	task.clear_ibuf [dreg:s7], $0x6FFFF;
	_ =	strace $0x90000049  }
0xb3: {  	s29 =	simm.s32 $0x9;
	_ =	strace $0x8000004B  }
0xb4: {  	_ =	swait.ge [sflag:s29], $0x1  }
0xb5: {  	[sflag:s29] =	ssyncadd.s32 $0xFFFFFFFF  }
0xb6: {  	_ =	strace $0x9000004B  }
0xb7: {  	_ =	sfence  }
0xb8: {  	s30 =	sld [smem:$0x0];
	_ =	sdelay $0x2  }
0xb9: {  	s31 =	sshll.u32 s1, $0xD;
	s1 =	sshrl.u32 s1, $0x2  }
0xba: {  	s3 =	sand.u32 $0x4000, s31;
	s1 =	sadd.s32 s1, s30  }
0xbb: {  	s0 =	sor.u32 s3, s0;
	s1 =	sshll.u32 s1, $0x11  }
0xbc: {  	s0 =	sor.u32 s1, s0  }
0xbd: {  	s0 =	sadd.s32 $0x8F2B, s0  }
0xbe: {  	[sflag:s0] =	ssyncadd.remote.s32 $0x1  }
0xbf: {  	_ =	sfence.sel $0xFFFF  }
0xc0: {  	[dreg:$0x0] =	wrdreg $0xFFFFFFFF;
	(pc) =	sbr.abs _section_cstart, $3  }
0xc1: {  	[dreg:$0x1] =	wrdreg $0xFFFFFFFF  }
0xc2: {  	_ =	task.clear_ibuf [dreg:s7], $0x2FFFF;
	_ =	strace $0x9FFFFFFF  }
0xc3: {  	(tm) =	ssettm $0x7FFFFFFF  }
tec
execute0_lowered:
.L_overlay_start_1:
0x0: {  	(tag) =	ssettag $0x1  }
0x1: {  	s0 =	rddreg [dreg:$0x0];
	s1 =	srdreg.scid  }
0x2: {  	s5 =	rddreg [dreg:$0x1];
	s9 =	stileid.u32  }
0x3: {  	s2 =	rddreg [dreg:$0x2];
	s3 =	simm.s32 $0x0;
	s12 =	simm.s32 $0x14100  }
0x4: {  	s14 =	simm.s32 $0x14880;
	s16 =	simm.s32 $0x14180;
	s17 =	simm.s32 $0x14900  }
0x5: {  	s18 =	simm.s32 $0x14200;
	s28 =	simm.s32 $0x14C00;
	s29 =	simm.s32 $0x14500  }
0x6: {  	s6 =	smul.u32 $0x2800, s9;
	[smem:$0x7FF] =	sst s3;
	s11 =	sadd.s32 $0xBA00, s0  }
0x7: {  	s7 =	smul.u32 $0x280, s9;
	_ =	strace $0x8000004A;
	[dreg:$0x14] =	wrdreg s11  }
0x8: {  	s1 =	sand.u32 $0x1, s1;
	s9 =	smul.u32 $0x50000, s9;
	[dreg:$0x7] =	wrdreg s12  }
0x9: {  	s30 =	simm.s32 $0x14C80;
	s4 =	smul.u32 $0x28000, s1;
	[dreg:$0x8] =	wrdreg s14  }
0xa: {  	s31 =	simm.s32 $0x14580;
	s19 =	smul.u32 $0x2800, s1;
	[dreg:$0x9] =	wrdreg s16  }
0xb: {  	s1 =	ssub.s32 $0x2, s1;
	[dreg:$0xa] =	wrdreg s17;
	s17 =	simm.s32 $0x15000  }
0xc: {  	[dreg:$0xb] =	wrdreg s18;
	s20 =	sshrl.u32 s9, $0x2;
	s21 =	sshrl.u32 s1, $0x1  }
0xd: {  	s4 =	sadd.s32 s6, s4;
	s6 =	sadd.s32 s7, s19;
	s19 =	simm.s32 $0x14980  }
0xe: {  	s7 =	sadd.s32 s20, s2;
	s20 =	simm.s32 $0x14280;
	[dreg:$0xc] =	wrdreg s19  }
0xf: {  	s1 =	ssub.s32 s1, s21;
	s21 =	simm.s32 $0x14A00;
	[dreg:$0xd] =	wrdreg s20  }
0x10: {  	s18 =	simm.s32 $0x3;
	s22 =	sadd.s32 $0x4000, s7;
	[dreg:$0xe] =	wrdreg s21  }
0x11: {  	s12 =	simm.s32 $0x14E00;
	s24 =	sadd.s32 $0xC000, s7;
	[dreg:$0x16] =	wrdreg s22  }
0x12: {  	s8 =	sshrl.u32 s4, $0x3;
	s1 =	smax.u32 s1, $0x1;
	[dreg:$0x18] =	wrdreg s24  }
0x13: {  	s23 =	sadd.s32 $0x8000, s7;
	s9 =	smov.u32 s7;
	[dreg:$0x1f] =	wrdreg s1  }
0x14: {  	s10 =	sadd.s32 s8, s0;
	s5 =	sadd.s32 s8, s5;
	[dreg:$0x15] =	wrdreg s9  }
0x15: {  	s8 =	sadd.s32 $0x10000, s7;
	s7 =	simm.s32 $0x14080;
	[dreg:$0x4] =	wrdreg s5  }
0x16: {  	s4 =	sadd.s32 $0xD600, s0;
	s22 =	simm.s32 $0x14300;
	[dreg:$0x6] =	wrdreg s7  }
0x17: {  	s6 =	sshll.u32 s6, $0x4;
	s24 =	simm.s32 $0x14380;
	[dreg:$0xf] =	wrdreg s22  }
0x18: {  	s0 =	sadd.s32 s6, s0;
	s6 =	simm.s32 $0x0;
	[dreg:$0x11] =	wrdreg s24  }
0x19: {  	s14 =	simm.s32 $0x14E80;
	s16 =	simm.s32 $0x14F00;
	[smem:$0x7FD] =	sst s6  }
0x1a: {  	s19 =	simm.s32 $0x14000;
	s26 =	sadd.s32 $0x35600, s0;
	[dreg:$0x19] =	wrdreg s8  }
0x1b: {  	s20 =	simm.s32 $0x14800;
	s25 =	sadd.s32 $0x1A00, s10;
	[dreg:$0x1a] =	wrdreg s26  }
0x1c: {  	s21 =	simm.s32 $0x80;
	s11 =	sadd.s32 $0x35E00, s0;
	[dreg:$0x5] =	wrdreg s25  }
0x1d: {  	s1 =	simm.s32 $0x14D00;
	s13 =	sadd.s32 $0x36600, s0;
	[dreg:$0x1b] =	wrdreg s11  }
0x1e: {  	s10 =	smov.u32 s23;
	s15 =	sadd.s32 $0x36E00, s0;
	[dreg:$0x1c] =	wrdreg s13  }
0x1f: {  	s0 =	sadd.s32 $0x37600, s0;
	s23 =	simm.s32 $0x14A80;
	[dreg:$0x1d] =	wrdreg s15  }
0x20: {  	s22 =	simm.s32 $0x19000;
	s24 =	simm.s32 $0x2;
	[dreg:$0x1e] =	wrdreg s0  }
0x21: {  	s5 =	simm.s32 $0x14D80;
	s7 =	simm.s32 $0x14F80;
	[dreg:$0x10] =	wrdreg s23  }
0x22: {  	s23 =	simm.s32 $0x1;
	s25 =	simm.s32 $0x14B00;
	s26 =	simm.s32 $0x14400  }
0x23: {  	s0 =	simm.s32 $0x14600;
	s11 =	simm.s32 $0x14680;
	[dreg:$0x17] =	wrdreg s10  }
0x24: {  	s13 =	simm.s32 $0x14700;
	s15 =	simm.s32 $0x14780;
	[dreg:$0x12] =	wrdreg s25  }
0x25: {  	[dreg:$0x13] =	wrdreg s26;
	s25 =	simm.s32 $0x14B80;
	s26 =	simm.s32 $0x14480  }
.LBB2_1:
0x26: {  	s6 =	rddreg [dreg:$0x14]  }
0x27: {  	[tilespmem:s17], [sflag:$0x3] =	stream.linear.gather [hbm4b:s6+s3], $0x4000, $0x38;
	[tilespmem:$0x1D000] =	vst v63  }
0x28: {  	_ =	swait.ge [sflag:s18], $0x4000  }
0x29: {  	[sflag:s18] =	ssyncset.done $0x0  }
0x2a: {  	[sflag:s18] =	ssyncadd.s32 $0xFFFFC000  }
0x2b: {  	[spmem:s9] =	stream.linear.scatter [tilespmem:s17], [sflag:$0x3], $0x4000, $0x38;
	[tilespmem:$0x1D000] =	vst v63  }
0x2c: {  	_ =	swait.ge [sflag:s18], $0x4000  }
0x2d: {  	[sflag:s18] =	ssyncset.done $0x0  }
0x2e: {  	s9 =	rddreg [dreg:$0x16];
	[sflag:s18] =	ssyncadd.s32 $0xFFFFC000  }
0x2f: {  	[spmem:s9] =	stream.linear.scatter [tilespmem:s17], [sflag:$0x3], $0x4000, $0x38;
	[tilespmem:$0x1D000] =	vst v63  }
0x30: {  	_ =	swait.ge [sflag:s18], $0x4000  }
0x31: {  	[sflag:s18] =	ssyncset.done $0x0  }
0x32: {  	[sflag:s18] =	ssyncadd.s32 $0xFFFFC000  }
0x33: {  	[spmem:s10] =	stream.linear.scatter [tilespmem:s17], [sflag:$0x3], $0x4000, $0x38;
	[tilespmem:$0x1D000] =	vst v63  }
0x34: {  	_ =	swait.ge [sflag:s18], $0x4000  }
0x35: {  	[sflag:s18] =	ssyncset.done $0x0  }
0x36: {  	s9 =	rddreg [dreg:$0x18];
	[sflag:s18] =	ssyncadd.s32 $0xFFFFC000  }
0x37: {  	[spmem:s9] =	stream.linear.scatter [tilespmem:s17], [sflag:$0x3], $0x4000, $0x38;
	[tilespmem:$0x1D000] =	vst v63  }
0x38: {  	_ =	swait.ge [sflag:s18], $0x4000  }
0x39: {  	[sflag:s18] =	ssyncset.done $0x0  }
0x3a: {  	[sflag:s18] =	ssyncadd.s32 $0xFFFFC000  }
0x3b: {  	[spmem:s8] =	stream.linear.scatter [tilespmem:s17], [sflag:$0x3], $0x4000, $0x38;
	[tilespmem:$0x1D000] =	vst v63  }
0x3c: {  	_ =	swait.ge [sflag:s18], $0x4000  }
0x3d: {  	[sflag:s18] =	ssyncset.done $0x0  }
0x3e: {  	[sflag:s18] =	ssyncadd.s32 $0xFFFFC000  }
0x3f: {  	[bflag:$0x0] =	sbarrier.arrive $0xFFFF  }
0x40: {  	s10 =	rddreg [dreg:$0x5]  }
0x41: {  	s6 =	sadd.s32 $0x0, s10  }
0x42: {  	[tilespmem:s19], [sflag:$0x3] =	stream.linear.gather [hbm4b:s6+s3], $0x800, $0x38;
	[tilespmem:$0x1D000] =	vst v63  }
0x43: {  	_ =	swait.ge [sflag:s18], $0x800  }
0x44: {  	s8 =	rddreg [dreg:$0x4];
	[sflag:s18] =	ssyncset.done $0x0  }
0x45: {  	[sflag:s18] =	ssyncadd.s32 $0xFFFFF800;
	s6 =	sadd.s32 $0x0, s8  }
0x46: {  	[tilespmem:s20], [sflag:$0x3] =	stream.linear.gather [hbm4b:s6+s3], $0x800, $0x38;
	[tilespmem:$0x1D000] =	vst v63  }
0x47: {  	_ =	swait.ge [sflag:s18], $0x800  }
0x48: {  	[sflag:s18] =	ssyncset.done $0x0  }
0x49: {  	[sflag:s18] =	ssyncadd.s32 $0xFFFFF800  }
0x4a: {  	[tilespmem:s17], [sflag:$0x1] =	stream.indirect.gather [hbm4b:s4+s21], $0x80, s19, s21, $0xb8;
	[tilespmem:$0x1D000] =	vst v63  }
0x4b: {  	s9 =	rddreg [dreg:$0x6]  }
0x4c: {  	[tilespmem:s22], [sflag:$0x2] =	stream.indirect.gather [hbm4b:s4+s21], $0x80, s9, s21, $0xb8;
	[tilespmem:$0x1D000] =	vst v63  }
0x4d: {  	_ =	swait.ge [sflag:s23], $0x4000  }
0x4e: {  	[sflag:s23] =	ssyncset.done $0x0  }
0x4f: {  	[sflag:s23] =	ssyncadd.s32 $0xFFFFC000  }
0x50: {  	[spmem:s2] =	stream.indirect.scatter.add.f32 [tilespmem:s17], [sflag:$0x3], $0x80, s20, s21, $0xb8;
	[tilespmem:$0x1D000] =	vst v63  }
0x51: {  	_ =	swait.ge [sflag:s18], $0x4000  }
0x52: {  	[sflag:s18] =	ssyncset.done $0x0  }
0x53: {  	s10 =	rddreg [dreg:$0x7];
	[sflag:s18] =	ssyncadd.s32 $0xFFFFC000  }
0x54: {  	[tilespmem:s17], [sflag:$0x1] =	stream.indirect.gather [hbm4b:s4+s21], $0x80, s10, s21, $0xb8;
	[tilespmem:$0x1D000] =	vst v63  }
0x55: {  	_ =	swait.ge [sflag:s24], $0x4000  }
0x56: {  	[sflag:s24] =	ssyncset.done $0x0  }
0x57: {  	s8 =	rddreg [dreg:$0x8];
	[sflag:s24] =	ssyncadd.s32 $0xFFFFC000  }
0x58: {  	[spmem:s2] =	stream.indirect.scatter.add.f32 [tilespmem:s22], [sflag:$0x3], $0x80, s8, s21, $0xb8;
	[tilespmem:$0x1D000] =	vst v63  }
0x59: {  	_ =	swait.ge [sflag:s18], $0x4000  }
0x5a: {  	[sflag:s18] =	ssyncset.done $0x0  }
0x5b: {  	s9 =	rddreg [dreg:$0x9];
	[sflag:s18] =	ssyncadd.s32 $0xFFFFC000  }
0x5c: {  	[tilespmem:s22], [sflag:$0x2] =	stream.indirect.gather [hbm4b:s4+s21], $0x80, s9, s21, $0xb8;
	[tilespmem:$0x1D000] =	vst v63  }
0x5d: {  	_ =	swait.ge [sflag:s23], $0x4000  }
0x5e: {  	[sflag:s23] =	ssyncset.done $0x0  }
0x5f: {  	s10 =	rddreg [dreg:$0xa];
	[sflag:s23] =	ssyncadd.s32 $0xFFFFC000  }
0x60: {  	[spmem:s2] =	stream.indirect.scatter.add.f32 [tilespmem:s17], [sflag:$0x3], $0x80, s10, s21, $0xb8;
	[tilespmem:$0x1D000] =	vst v63  }
0x61: {  	_ =	swait.ge [sflag:s18], $0x4000  }
0x62: {  	[sflag:s18] =	ssyncset.done $0x0  }
0x63: {  	s8 =	rddreg [dreg:$0xb];
	[sflag:s18] =	ssyncadd.s32 $0xFFFFC000  }
0x64: {  	[tilespmem:s17], [sflag:$0x1] =	stream.indirect.gather [hbm4b:s4+s21], $0x80, s8, s21, $0xb8;
	[tilespmem:$0x1D000] =	vst v63  }
0x65: {  	_ =	swait.ge [sflag:s24], $0x4000  }
0x66: {  	[sflag:s24] =	ssyncset.done $0x0  }
0x67: {  	s9 =	rddreg [dreg:$0xc];
	[sflag:s24] =	ssyncadd.s32 $0xFFFFC000  }
0x68: {  	[spmem:s2] =	stream.indirect.scatter.add.f32 [tilespmem:s22], [sflag:$0x3], $0x80, s9, s21, $0xb8;
	[tilespmem:$0x1D000] =	vst v63  }
0x69: {  	_ =	swait.ge [sflag:s18], $0x4000  }
0x6a: {  	[sflag:s18] =	ssyncset.done $0x0  }
0x6b: {  	s10 =	rddreg [dreg:$0xd];
	[sflag:s18] =	ssyncadd.s32 $0xFFFFC000  }
0x6c: {  	[tilespmem:s22], [sflag:$0x2] =	stream.indirect.gather [hbm4b:s4+s21], $0x80, s10, s21, $0xb8;
	[tilespmem:$0x1D000] =	vst v63  }
0x6d: {  	_ =	swait.ge [sflag:s23], $0x4000  }
0x6e: {  	[sflag:s23] =	ssyncset.done $0x0  }
0x6f: {  	s8 =	rddreg [dreg:$0xe];
	[sflag:s23] =	ssyncadd.s32 $0xFFFFC000  }
0x70: {  	[spmem:s2] =	stream.indirect.scatter.add.f32 [tilespmem:s17], [sflag:$0x3], $0x80, s8, s21, $0xb8;
	[tilespmem:$0x1D000] =	vst v63  }
0x71: {  	_ =	swait.ge [sflag:s18], $0x4000  }
0x72: {  	[sflag:s18] =	ssyncset.done $0x0  }
0x73: {  	s9 =	rddreg [dreg:$0xf];
	[sflag:s18] =	ssyncadd.s32 $0xFFFFC000  }
0x74: {  	[tilespmem:s17], [sflag:$0x1] =	stream.indirect.gather [hbm4b:s4+s21], $0x80, s9, s21, $0xb8;
	[tilespmem:$0x1D000] =	vst v63  }
0x75: {  	_ =	swait.ge [sflag:s24], $0x4000  }
0x76: {  	[sflag:s24] =	ssyncset.done $0x0  }
0x77: {  	s10 =	rddreg [dreg:$0x10];
	[sflag:s24] =	ssyncadd.s32 $0xFFFFC000  }
0x78: {  	[spmem:s2] =	stream.indirect.scatter.add.f32 [tilespmem:s22], [sflag:$0x3], $0x80, s10, s21, $0xb8;
	[tilespmem:$0x1D000] =	vst v63  }
0x79: {  	_ =	swait.ge [sflag:s18], $0x4000  }
0x7a: {  	[sflag:s18] =	ssyncset.done $0x0  }
0x7b: {  	s8 =	rddreg [dreg:$0x11];
	[sflag:s18] =	ssyncadd.s32 $0xFFFFC000  }
0x7c: {  	[tilespmem:s22], [sflag:$0x2] =	stream.indirect.gather [hbm4b:s4+s21], $0x80, s8, s21, $0xb8;
	[tilespmem:$0x1D000] =	vst v63  }
0x7d: {  	_ =	swait.ge [sflag:s23], $0x4000  }
0x7e: {  	[sflag:s23] =	ssyncset.done $0x0  }
0x7f: {  	s9 =	rddreg [dreg:$0x12];
	[sflag:s23] =	ssyncadd.s32 $0xFFFFC000  }
0x80: {  	[spmem:s2] =	stream.indirect.scatter.add.f32 [tilespmem:s17], [sflag:$0x3], $0x80, s9, s21, $0xb8;
	[tilespmem:$0x1D000] =	vst v63  }
0x81: {  	_ =	swait.ge [sflag:s18], $0x4000  }
0x82: {  	[sflag:s18] =	ssyncset.done $0x0  }
0x83: {  	s10 =	rddreg [dreg:$0x13];
	[sflag:s18] =	ssyncadd.s32 $0xFFFFC000  }
0x84: {  	[tilespmem:s17], [sflag:$0x1] =	stream.indirect.gather [hbm4b:s4+s21], $0x80, s10, s21, $0xb8;
	[tilespmem:$0x1D000] =	vst v63  }
0x85: {  	_ =	swait.ge [sflag:s24], $0x4000  }
0x86: {  	[sflag:s24] =	ssyncset.done $0x0  }
0x87: {  	[sflag:s24] =	ssyncadd.s32 $0xFFFFC000  }
0x88: {  	[spmem:s2] =	stream.indirect.scatter.add.f32 [tilespmem:s22], [sflag:$0x3], $0x80, s25, s21, $0xb8;
	[tilespmem:$0x1D000] =	vst v63  }
0x89: {  	_ =	swait.ge [sflag:s18], $0x4000  }
0x8a: {  	[sflag:s18] =	ssyncset.done $0x0  }
0x8b: {  	[sflag:s18] =	ssyncadd.s32 $0xFFFFC000  }
0x8c: {  	[tilespmem:s22], [sflag:$0x2] =	stream.indirect.gather [hbm4b:s4+s21], $0x80, s26, s21, $0xb8;
	[tilespmem:$0x1D000] =	vst v63  }
0x8d: {  	_ =	swait.ge [sflag:s23], $0x4000  }
0x8e: {  	[sflag:s23] =	ssyncset.done $0x0  }
0x8f: {  	[sflag:s23] =	ssyncadd.s32 $0xFFFFC000  }
0x90: {  	[spmem:s2] =	stream.indirect.scatter.add.f32 [tilespmem:s17], [sflag:$0x3], $0x80, s28, s21, $0xb8;
	[tilespmem:$0x1D000] =	vst v63  }
0x91: {  	_ =	swait.ge [sflag:s18], $0x4000  }
0x92: {  	[sflag:s18] =	ssyncset.done $0x0  }
0x93: {  	[sflag:s18] =	ssyncadd.s32 $0xFFFFC000  }
0x94: {  	[tilespmem:s17], [sflag:$0x1] =	stream.indirect.gather [hbm4b:s4+s21], $0x80, s29, s21, $0xb8;
	[tilespmem:$0x1D000] =	vst v63  }
0x95: {  	_ =	swait.ge [sflag:s24], $0x4000  }
0x96: {  	[sflag:s24] =	ssyncset.done $0x0  }
0x97: {  	[sflag:s24] =	ssyncadd.s32 $0xFFFFC000  }
0x98: {  	[spmem:s2] =	stream.indirect.scatter.add.f32 [tilespmem:s22], [sflag:$0x3], $0x80, s30, s21, $0xb8;
	[tilespmem:$0x1D000] =	vst v63  }
0x99: {  	_ =	swait.ge [sflag:s18], $0x4000  }
0x9a: {  	[sflag:s18] =	ssyncset.done $0x0  }
0x9b: {  	[sflag:s18] =	ssyncadd.s32 $0xFFFFC000  }
0x9c: {  	[tilespmem:s22], [sflag:$0x2] =	stream.indirect.gather [hbm4b:s4+s21], $0x80, s31, s21, $0xb8;
	[tilespmem:$0x1D000] =	vst v63  }
0x9d: {  	_ =	swait.ge [sflag:s23], $0x4000  }
0x9e: {  	[sflag:s23] =	ssyncset.done $0x0  }
0x9f: {  	[sflag:s23] =	ssyncadd.s32 $0xFFFFC000  }
0xa0: {  	[spmem:s2] =	stream.indirect.scatter.add.f32 [tilespmem:s17], [sflag:$0x3], $0x80, s1, s21, $0xb8;
	[tilespmem:$0x1D000] =	vst v63  }
0xa1: {  	_ =	swait.ge [sflag:s18], $0x4000  }
0xa2: {  	[sflag:s18] =	ssyncset.done $0x0  }
0xa3: {  	[sflag:s18] =	ssyncadd.s32 $0xFFFFC000  }
0xa4: {  	[tilespmem:s17], [sflag:$0x1] =	stream.indirect.gather [hbm4b:s4+s21], $0x80, s0, s21, $0xb8;
	[tilespmem:$0x1D000] =	vst v63  }
0xa5: {  	_ =	swait.ge [sflag:s24], $0x4000  }
0xa6: {  	[sflag:s24] =	ssyncset.done $0x0  }
0xa7: {  	[sflag:s24] =	ssyncadd.s32 $0xFFFFC000  }
0xa8: {  	[spmem:s2] =	stream.indirect.scatter.add.f32 [tilespmem:s22], [sflag:$0x3], $0x80, s5, s21, $0xb8;
	[tilespmem:$0x1D000] =	vst v63  }
0xa9: {  	_ =	swait.ge [sflag:s18], $0x4000  }
0xaa: {  	[sflag:s18] =	ssyncset.done $0x0  }
0xab: {  	[sflag:s18] =	ssyncadd.s32 $0xFFFFC000  }
0xac: {  	[tilespmem:s22], [sflag:$0x2] =	stream.indirect.gather [hbm4b:s4+s21], $0x80, s11, s21, $0xb8;
	[tilespmem:$0x1D000] =	vst v63  }
0xad: {  	_ =	swait.ge [sflag:s23], $0x4000  }
0xae: {  	[sflag:s23] =	ssyncset.done $0x0  }
0xaf: {  	[sflag:s23] =	ssyncadd.s32 $0xFFFFC000  }
0xb0: {  	[spmem:s2] =	stream.indirect.scatter.add.f32 [tilespmem:s17], [sflag:$0x3], $0x80, s12, s21, $0xb8;
	[tilespmem:$0x1D000] =	vst v63  }
0xb1: {  	_ =	swait.ge [sflag:s18], $0x4000  }
0xb2: {  	[sflag:s18] =	ssyncset.done $0x0  }
0xb3: {  	[sflag:s18] =	ssyncadd.s32 $0xFFFFC000  }
0xb4: {  	[tilespmem:s17], [sflag:$0x1] =	stream.indirect.gather [hbm4b:s4+s21], $0x80, s13, s21, $0xb8;
	[tilespmem:$0x1D000] =	vst v63  }
0xb5: {  	_ =	swait.ge [sflag:s24], $0x4000  }
0xb6: {  	[sflag:s24] =	ssyncset.done $0x0  }
0xb7: {  	[sflag:s24] =	ssyncadd.s32 $0xFFFFC000  }
0xb8: {  	[spmem:s2] =	stream.indirect.scatter.add.f32 [tilespmem:s22], [sflag:$0x3], $0x80, s14, s21, $0xb8;
	[tilespmem:$0x1D000] =	vst v63  }
0xb9: {  	_ =	swait.ge [sflag:s18], $0x4000  }
0xba: {  	[sflag:s18] =	ssyncset.done $0x0  }
0xbb: {  	[sflag:s18] =	ssyncadd.s32 $0xFFFFC000  }
0xbc: {  	[tilespmem:s22], [sflag:$0x2] =	stream.indirect.gather [hbm4b:s4+s21], $0x80, s15, s21, $0xb8;
	[tilespmem:$0x1D000] =	vst v63  }
0xbd: {  	_ =	swait.ge [sflag:s23], $0x4000  }
0xbe: {  	[sflag:s23] =	ssyncset.done $0x0  }
0xbf: {  	[sflag:s23] =	ssyncadd.s32 $0xFFFFC000  }
0xc0: {  	[spmem:s2] =	stream.indirect.scatter.add.f32 [tilespmem:s17], [sflag:$0x3], $0x80, s16, s21, $0xb8;
	[tilespmem:$0x1D000] =	vst v63  }
0xc1: {  	_ =	swait.ge [sflag:s18], $0x4000  }
0xc2: {  	[sflag:s18] =	ssyncset.done $0x0  }
0xc3: {  	[sflag:s18] =	ssyncadd.s32 $0xFFFFC000  }
0xc4: {  	_ =	swait.ge [sflag:s24], $0x4000  }
0xc5: {  	[sflag:s24] =	ssyncset.done $0x0  }
0xc6: {  	[sflag:s24] =	ssyncadd.s32 $0xFFFFC000  }
0xc7: {  	[spmem:s2] =	stream.indirect.scatter.add.f32 [tilespmem:s22], [sflag:$0x3], $0x80, s7, s21, $0xb8;
	[tilespmem:$0x1D000] =	vst v63  }
0xc8: {  	s9 =	simm.s32 $0x100;
	_ =	swait.ge [sflag:s18], $0x4000  }
0xc9: {  	s10 =	simm.s32 $0x200;
	s6 =	rddreg [dreg:$0x5];
	[sflag:s18] =	ssyncset.done $0x0  }
.LBB2_2:
0xca: {  	[sflag:s18] =	ssyncadd.s32 $0xFFFFC000;
	s6 =	sadd.s32 s9, s6  }
0xcb: {  	[tilespmem:s19], [sflag:$0x3] =	stream.linear.gather [hbm4b:s6+s3], $0x800, $0x38;
	[tilespmem:$0x1D000] =	vst v63  }
0xcc: {  	_ =	swait.ge [sflag:s18], $0x800  }
0xcd: {  	s6 =	rddreg [dreg:$0x4];
	[sflag:s18] =	ssyncset.done $0x0  }
0xce: {  	[sflag:s18] =	ssyncadd.s32 $0xFFFFF800;
	s6 =	sadd.s32 s9, s6  }
0xcf: {  	[tilespmem:s20], [sflag:$0x3] =	stream.linear.gather [hbm4b:s6+s3], $0x800, $0x38;
	[tilespmem:$0x1D000] =	vst v63  }
0xd0: {  	_ =	swait.ge [sflag:s18], $0x800  }
0xd1: {  	[sflag:s18] =	ssyncset.done $0x0  }
0xd2: {  	s8 =	smov.u32 s10;
	[sflag:s18] =	ssyncadd.s32 $0xFFFFF800  }
0xd3: {  	[tilespmem:s17], [sflag:$0x1] =	stream.indirect.gather [hbm4b:s4+s21], $0x80, s19, s21, $0xb8;
	[tilespmem:$0x1D000] =	vst v63  }
0xd4: {  	s9 =	smov.u32 s8;
	s8 =	rddreg [dreg:$0x6]  }
0xd5: {  	[tilespmem:s22], [sflag:$0x2] =	stream.indirect.gather [hbm4b:s4+s21], $0x80, s8, s21, $0xb8;
	[tilespmem:$0x1D000] =	vst v63  }
0xd6: {  	_ =	swait.ge [sflag:s23], $0x4000  }
0xd7: {  	[sflag:s23] =	ssyncset.done $0x0  }
0xd8: {  	[sflag:s23] =	ssyncadd.s32 $0xFFFFC000  }
0xd9: {  	[spmem:s2] =	stream.indirect.scatter.add.f32 [tilespmem:s17], [sflag:$0x3], $0x80, s20, s21, $0xb8;
	[tilespmem:$0x1D000] =	vst v63  }
0xda: {  	_ =	swait.ge [sflag:s18], $0x4000  }
0xdb: {  	[sflag:s18] =	ssyncset.done $0x0  }
0xdc: {  	s8 =	rddreg [dreg:$0x7];
	[sflag:s18] =	ssyncadd.s32 $0xFFFFC000  }
0xdd: {  	[tilespmem:s17], [sflag:$0x1] =	stream.indirect.gather [hbm4b:s4+s21], $0x80, s8, s21, $0xb8;
	[tilespmem:$0x1D000] =	vst v63  }
0xde: {  	_ =	swait.ge [sflag:s24], $0x4000  }
0xdf: {  	[sflag:s24] =	ssyncset.done $0x0  }
0xe0: {  	s8 =	rddreg [dreg:$0x8];
	[sflag:s24] =	ssyncadd.s32 $0xFFFFC000  }
0xe1: {  	[spmem:s2] =	stream.indirect.scatter.add.f32 [tilespmem:s22], [sflag:$0x3], $0x80, s8, s21, $0xb8;
	[tilespmem:$0x1D000] =	vst v63  }
0xe2: {  	_ =	swait.ge [sflag:s18], $0x4000  }
0xe3: {  	[sflag:s18] =	ssyncset.done $0x0  }
0xe4: {  	s8 =	rddreg [dreg:$0x9];
	[sflag:s18] =	ssyncadd.s32 $0xFFFFC000  }
0xe5: {  	[tilespmem:s22], [sflag:$0x2] =	stream.indirect.gather [hbm4b:s4+s21], $0x80, s8, s21, $0xb8;
	[tilespmem:$0x1D000] =	vst v63  }
0xe6: {  	_ =	swait.ge [sflag:s23], $0x4000  }
0xe7: {  	[sflag:s23] =	ssyncset.done $0x0  }
0xe8: {  	s8 =	rddreg [dreg:$0xa];
	[sflag:s23] =	ssyncadd.s32 $0xFFFFC000  }
0xe9: {  	[spmem:s2] =	stream.indirect.scatter.add.f32 [tilespmem:s17], [sflag:$0x3], $0x80, s8, s21, $0xb8;
	[tilespmem:$0x1D000] =	vst v63  }
0xea: {  	_ =	swait.ge [sflag:s18], $0x4000  }
0xeb: {  	[sflag:s18] =	ssyncset.done $0x0  }
0xec: {  	s8 =	rddreg [dreg:$0xb];
	[sflag:s18] =	ssyncadd.s32 $0xFFFFC000  }
0xed: {  	[tilespmem:s17], [sflag:$0x1] =	stream.indirect.gather [hbm4b:s4+s21], $0x80, s8, s21, $0xb8;
	[tilespmem:$0x1D000] =	vst v63  }
0xee: {  	_ =	swait.ge [sflag:s24], $0x4000  }
0xef: {  	[sflag:s24] =	ssyncset.done $0x0  }
0xf0: {  	s8 =	rddreg [dreg:$0xc];
	[sflag:s24] =	ssyncadd.s32 $0xFFFFC000  }
0xf1: {  	[spmem:s2] =	stream.indirect.scatter.add.f32 [tilespmem:s22], [sflag:$0x3], $0x80, s8, s21, $0xb8;
	[tilespmem:$0x1D000] =	vst v63  }
0xf2: {  	_ =	swait.ge [sflag:s18], $0x4000  }
0xf3: {  	[sflag:s18] =	ssyncset.done $0x0  }
0xf4: {  	s8 =	rddreg [dreg:$0xd];
	[sflag:s18] =	ssyncadd.s32 $0xFFFFC000  }
0xf5: {  	[tilespmem:s22], [sflag:$0x2] =	stream.indirect.gather [hbm4b:s4+s21], $0x80, s8, s21, $0xb8;
	[tilespmem:$0x1D000] =	vst v63  }
0xf6: {  	_ =	swait.ge [sflag:s23], $0x4000  }
0xf7: {  	[sflag:s23] =	ssyncset.done $0x0  }
0xf8: {  	s8 =	rddreg [dreg:$0xe];
	[sflag:s23] =	ssyncadd.s32 $0xFFFFC000  }
0xf9: {  	[spmem:s2] =	stream.indirect.scatter.add.f32 [tilespmem:s17], [sflag:$0x3], $0x80, s8, s21, $0xb8;
	[tilespmem:$0x1D000] =	vst v63  }
0xfa: {  	_ =	swait.ge [sflag:s18], $0x4000  }
0xfb: {  	[sflag:s18] =	ssyncset.done $0x0  }
0xfc: {  	s8 =	rddreg [dreg:$0xf];
	[sflag:s18] =	ssyncadd.s32 $0xFFFFC000  }
0xfd: {  	[tilespmem:s17], [sflag:$0x1] =	stream.indirect.gather [hbm4b:s4+s21], $0x80, s8, s21, $0xb8;
	[tilespmem:$0x1D000] =	vst v63  }
0xfe: {  	_ =	swait.ge [sflag:s24], $0x4000  }
0xff: {  	[sflag:s24] =	ssyncset.done $0x0  }
0x100: {  	s8 =	rddreg [dreg:$0x10];
	[sflag:s24] =	ssyncadd.s32 $0xFFFFC000  }
0x101: {  	[spmem:s2] =	stream.indirect.scatter.add.f32 [tilespmem:s22], [sflag:$0x3], $0x80, s8, s21, $0xb8;
	[tilespmem:$0x1D000] =	vst v63  }
0x102: {  	_ =	swait.ge [sflag:s18], $0x4000  }
0x103: {  	[sflag:s18] =	ssyncset.done $0x0  }
0x104: {  	s8 =	rddreg [dreg:$0x11];
	[sflag:s18] =	ssyncadd.s32 $0xFFFFC000  }
0x105: {  	[tilespmem:s22], [sflag:$0x2] =	stream.indirect.gather [hbm4b:s4+s21], $0x80, s8, s21, $0xb8;
	[tilespmem:$0x1D000] =	vst v63  }
0x106: {  	_ =	swait.ge [sflag:s23], $0x4000  }
0x107: {  	[sflag:s23] =	ssyncset.done $0x0  }
0x108: {  	s8 =	rddreg [dreg:$0x12];
	[sflag:s23] =	ssyncadd.s32 $0xFFFFC000  }
0x109: {  	[spmem:s2] =	stream.indirect.scatter.add.f32 [tilespmem:s17], [sflag:$0x3], $0x80, s8, s21, $0xb8;
	[tilespmem:$0x1D000] =	vst v63  }
0x10a: {  	_ =	swait.ge [sflag:s18], $0x4000  }
0x10b: {  	[sflag:s18] =	ssyncset.done $0x0  }
0x10c: {  	s8 =	rddreg [dreg:$0x13];
	[sflag:s18] =	ssyncadd.s32 $0xFFFFC000  }
0x10d: {  	[tilespmem:s17], [sflag:$0x1] =	stream.indirect.gather [hbm4b:s4+s21], $0x80, s8, s21, $0xb8;
	[tilespmem:$0x1D000] =	vst v63  }
0x10e: {  	_ =	swait.ge [sflag:s24], $0x4000  }
0x10f: {  	[sflag:s24] =	ssyncset.done $0x0  }
0x110: {  	[sflag:s24] =	ssyncadd.s32 $0xFFFFC000  }
0x111: {  	[spmem:s2] =	stream.indirect.scatter.add.f32 [tilespmem:s22], [sflag:$0x3], $0x80, s25, s21, $0xb8;
	[tilespmem:$0x1D000] =	vst v63  }
0x112: {  	_ =	swait.ge [sflag:s18], $0x4000  }
0x113: {  	[sflag:s18] =	ssyncset.done $0x0  }
0x114: {  	[sflag:s18] =	ssyncadd.s32 $0xFFFFC000  }
0x115: {  	[tilespmem:s22], [sflag:$0x2] =	stream.indirect.gather [hbm4b:s4+s21], $0x80, s26, s21, $0xb8;
	[tilespmem:$0x1D000] =	vst v63  }
0x116: {  	_ =	swait.ge [sflag:s23], $0x4000  }
0x117: {  	[sflag:s23] =	ssyncset.done $0x0  }
0x118: {  	[sflag:s23] =	ssyncadd.s32 $0xFFFFC000  }
0x119: {  	[spmem:s2] =	stream.indirect.scatter.add.f32 [tilespmem:s17], [sflag:$0x3], $0x80, s28, s21, $0xb8;
	[tilespmem:$0x1D000] =	vst v63  }
0x11a: {  	_ =	swait.ge [sflag:s18], $0x4000  }
0x11b: {  	[sflag:s18] =	ssyncset.done $0x0  }
0x11c: {  	[sflag:s18] =	ssyncadd.s32 $0xFFFFC000  }
0x11d: {  	[tilespmem:s17], [sflag:$0x1] =	stream.indirect.gather [hbm4b:s4+s21], $0x80, s29, s21, $0xb8;
	[tilespmem:$0x1D000] =	vst v63  }
0x11e: {  	_ =	swait.ge [sflag:s24], $0x4000  }
0x11f: {  	[sflag:s24] =	ssyncset.done $0x0  }
0x120: {  	[sflag:s24] =	ssyncadd.s32 $0xFFFFC000  }
0x121: {  	[spmem:s2] =	stream.indirect.scatter.add.f32 [tilespmem:s22], [sflag:$0x3], $0x80, s30, s21, $0xb8;
	[tilespmem:$0x1D000] =	vst v63  }
0x122: {  	_ =	swait.ge [sflag:s18], $0x4000  }
0x123: {  	[sflag:s18] =	ssyncset.done $0x0  }
0x124: {  	[sflag:s18] =	ssyncadd.s32 $0xFFFFC000  }
0x125: {  	[tilespmem:s22], [sflag:$0x2] =	stream.indirect.gather [hbm4b:s4+s21], $0x80, s31, s21, $0xb8;
	[tilespmem:$0x1D000] =	vst v63  }
0x126: {  	_ =	swait.ge [sflag:s23], $0x4000  }
0x127: {  	[sflag:s23] =	ssyncset.done $0x0  }
0x128: {  	[sflag:s23] =	ssyncadd.s32 $0xFFFFC000  }
0x129: {  	[spmem:s2] =	stream.indirect.scatter.add.f32 [tilespmem:s17], [sflag:$0x3], $0x80, s1, s21, $0xb8;
	[tilespmem:$0x1D000] =	vst v63  }
0x12a: {  	_ =	swait.ge [sflag:s18], $0x4000  }
0x12b: {  	[sflag:s18] =	ssyncset.done $0x0  }
0x12c: {  	[sflag:s18] =	ssyncadd.s32 $0xFFFFC000  }
0x12d: {  	[tilespmem:s17], [sflag:$0x1] =	stream.indirect.gather [hbm4b:s4+s21], $0x80, s0, s21, $0xb8;
	[tilespmem:$0x1D000] =	vst v63  }
0x12e: {  	_ =	swait.ge [sflag:s24], $0x4000  }
0x12f: {  	[sflag:s24] =	ssyncset.done $0x0  }
0x130: {  	[sflag:s24] =	ssyncadd.s32 $0xFFFFC000  }
0x131: {  	[spmem:s2] =	stream.indirect.scatter.add.f32 [tilespmem:s22], [sflag:$0x3], $0x80, s5, s21, $0xb8;
	[tilespmem:$0x1D000] =	vst v63  }
0x132: {  	_ =	swait.ge [sflag:s18], $0x4000  }
0x133: {  	[sflag:s18] =	ssyncset.done $0x0  }
0x134: {  	[sflag:s18] =	ssyncadd.s32 $0xFFFFC000  }
0x135: {  	[tilespmem:s22], [sflag:$0x2] =	stream.indirect.gather [hbm4b:s4+s21], $0x80, s11, s21, $0xb8;
	[tilespmem:$0x1D000] =	vst v63  }
0x136: {  	_ =	swait.ge [sflag:s23], $0x4000  }
0x137: {  	[sflag:s23] =	ssyncset.done $0x0  }
0x138: {  	[sflag:s23] =	ssyncadd.s32 $0xFFFFC000  }
0x139: {  	[spmem:s2] =	stream.indirect.scatter.add.f32 [tilespmem:s17], [sflag:$0x3], $0x80, s12, s21, $0xb8;
	[tilespmem:$0x1D000] =	vst v63  }
0x13a: {  	_ =	swait.ge [sflag:s18], $0x4000  }
0x13b: {  	[sflag:s18] =	ssyncset.done $0x0  }
0x13c: {  	[sflag:s18] =	ssyncadd.s32 $0xFFFFC000  }
0x13d: {  	[tilespmem:s17], [sflag:$0x1] =	stream.indirect.gather [hbm4b:s4+s21], $0x80, s13, s21, $0xb8;
	[tilespmem:$0x1D000] =	vst v63  }
0x13e: {  	_ =	swait.ge [sflag:s24], $0x4000  }
0x13f: {  	[sflag:s24] =	ssyncset.done $0x0  }
0x140: {  	[sflag:s24] =	ssyncadd.s32 $0xFFFFC000  }
0x141: {  	[spmem:s2] =	stream.indirect.scatter.add.f32 [tilespmem:s22], [sflag:$0x3], $0x80, s14, s21, $0xb8;
	[tilespmem:$0x1D000] =	vst v63  }
0x142: {  	_ =	swait.ge [sflag:s18], $0x4000  }
0x143: {  	[sflag:s18] =	ssyncset.done $0x0  }
0x144: {  	[sflag:s18] =	ssyncadd.s32 $0xFFFFC000  }
0x145: {  	[tilespmem:s22], [sflag:$0x2] =	stream.indirect.gather [hbm4b:s4+s21], $0x80, s15, s21, $0xb8;
	[tilespmem:$0x1D000] =	vst v63  }
0x146: {  	_ =	swait.ge [sflag:s23], $0x4000  }
0x147: {  	[sflag:s23] =	ssyncset.done $0x0  }
0x148: {  	[sflag:s23] =	ssyncadd.s32 $0xFFFFC000  }
0x149: {  	[spmem:s2] =	stream.indirect.scatter.add.f32 [tilespmem:s17], [sflag:$0x3], $0x80, s16, s21, $0xb8;
	[tilespmem:$0x1D000] =	vst v63  }
0x14a: {  	_ =	swait.ge [sflag:s18], $0x4000  }
0x14b: {  	[sflag:s18] =	ssyncset.done $0x0  }
0x14c: {  	[sflag:s18] =	ssyncadd.s32 $0xFFFFC000  }
0x14d: {  	p0 =	sne.s32 s10, $0x400;
	_ =	swait.ge [sflag:s24], $0x4000  }
.Ltmp0:
0x14e: {  	[sflag:s24] =	ssyncset.done $0x0;
	(pc) =	sbr.rel @p0 .LBB2_2-.Ltmp0, $4  }
0x14f: {  	[sflag:s24] =	ssyncadd.s32 $0xFFFFC000  }
0x150: {  	[spmem:s2] =	stream.indirect.scatter.add.f32 [tilespmem:s22], [sflag:$0x3], $0x80, s7, s21, $0xb8;
	[tilespmem:$0x1D000] =	vst v63  }
0x151: {  	_ =	swait.ge [sflag:s18], $0x4000  }
0x152: {  	s10 =	sadd.s32 $0x100, s10;
	s6 =	rddreg [dreg:$0x5];
	[sflag:s18] =	ssyncset.done $0x0  }
0x153: {  	[sflag:s18] =	ssyncadd.s32 $0xFFFFC000;
	s6 =	sadd.s32 s9, s6  }
0x154: {  	[tilespmem:s19], [sflag:$0x3] =	stream.linear.gather [hbm4b:s6+s3], $0x800, $0x38;
	[tilespmem:$0x1D000] =	vst v63  }
0x155: {  	_ =	swait.ge [sflag:s18], $0x800  }
0x156: {  	s10 =	rddreg [dreg:$0x4];
	[sflag:s18] =	ssyncset.done $0x0  }
0x157: {  	s6 =	sadd.s32 s9, s10;
	[sflag:s18] =	ssyncadd.s32 $0xFFFFF800  }
0x158: {  	[tilespmem:s20], [sflag:$0x3] =	stream.linear.gather [hbm4b:s6+s3], $0x800, $0x38;
	[tilespmem:$0x1D000] =	vst v63  }
0x159: {  	_ =	swait.ge [sflag:s18], $0x800  }
0x15a: {  	[sflag:s18] =	ssyncset.done $0x0  }
0x15b: {  	[sflag:s18] =	ssyncadd.s32 $0xFFFFF800  }
0x15c: {  	[tilespmem:s17], [sflag:$0x1] =	stream.indirect.gather [hbm4b:s4+s21], $0x80, s19, s21, $0xb8;
	[tilespmem:$0x1D000] =	vst v63  }
0x15d: {  	s8 =	rddreg [dreg:$0x6]  }
0x15e: {  	[tilespmem:s22], [sflag:$0x2] =	stream.indirect.gather [hbm4b:s4+s21], $0x80, s8, s21, $0xb8;
	[tilespmem:$0x1D000] =	vst v63  }
0x15f: {  	_ =	swait.ge [sflag:s23], $0x4000  }
0x160: {  	[sflag:s23] =	ssyncset.done $0x0  }
0x161: {  	[sflag:s23] =	ssyncadd.s32 $0xFFFFC000  }
0x162: {  	[spmem:s2] =	stream.indirect.scatter.add.f32 [tilespmem:s17], [sflag:$0x3], $0x80, s20, s21, $0xb8;
	[tilespmem:$0x1D000] =	vst v63  }
0x163: {  	_ =	swait.ge [sflag:s18], $0x4000  }
0x164: {  	[sflag:s18] =	ssyncset.done $0x0  }
0x165: {  	s9 =	rddreg [dreg:$0x7];
	[sflag:s18] =	ssyncadd.s32 $0xFFFFC000  }
0x166: {  	[tilespmem:s17], [sflag:$0x1] =	stream.indirect.gather [hbm4b:s4+s21], $0x80, s9, s21, $0xb8;
	[tilespmem:$0x1D000] =	vst v63  }
0x167: {  	_ =	swait.ge [sflag:s24], $0x4000  }
0x168: {  	[sflag:s24] =	ssyncset.done $0x0  }
0x169: {  	s10 =	rddreg [dreg:$0x8];
	[sflag:s24] =	ssyncadd.s32 $0xFFFFC000  }
0x16a: {  	[spmem:s2] =	stream.indirect.scatter.add.f32 [tilespmem:s22], [sflag:$0x3], $0x80, s10, s21, $0xb8;
	[tilespmem:$0x1D000] =	vst v63  }
0x16b: {  	_ =	swait.ge [sflag:s18], $0x4000  }
0x16c: {  	[sflag:s18] =	ssyncset.done $0x0  }
0x16d: {  	s8 =	rddreg [dreg:$0x9];
	[sflag:s18] =	ssyncadd.s32 $0xFFFFC000  }
0x16e: {  	[tilespmem:s22], [sflag:$0x2] =	stream.indirect.gather [hbm4b:s4+s21], $0x80, s8, s21, $0xb8;
	[tilespmem:$0x1D000] =	vst v63  }
0x16f: {  	_ =	swait.ge [sflag:s23], $0x4000  }
0x170: {  	[sflag:s23] =	ssyncset.done $0x0  }
0x171: {  	s9 =	rddreg [dreg:$0xa];
	[sflag:s23] =	ssyncadd.s32 $0xFFFFC000  }
0x172: {  	[spmem:s2] =	stream.indirect.scatter.add.f32 [tilespmem:s17], [sflag:$0x3], $0x80, s9, s21, $0xb8;
	[tilespmem:$0x1D000] =	vst v63  }
0x173: {  	_ =	swait.ge [sflag:s18], $0x4000  }
0x174: {  	[sflag:s18] =	ssyncset.done $0x0  }
0x175: {  	s10 =	rddreg [dreg:$0xb];
	[sflag:s18] =	ssyncadd.s32 $0xFFFFC000  }
0x176: {  	[tilespmem:s17], [sflag:$0x1] =	stream.indirect.gather [hbm4b:s4+s21], $0x80, s10, s21, $0xb8;
	[tilespmem:$0x1D000] =	vst v63  }
0x177: {  	_ =	swait.ge [sflag:s24], $0x4000  }
0x178: {  	[sflag:s24] =	ssyncset.done $0x0  }
0x179: {  	s8 =	rddreg [dreg:$0xc];
	[sflag:s24] =	ssyncadd.s32 $0xFFFFC000  }
0x17a: {  	[spmem:s2] =	stream.indirect.scatter.add.f32 [tilespmem:s22], [sflag:$0x3], $0x80, s8, s21, $0xb8;
	[tilespmem:$0x1D000] =	vst v63  }
0x17b: {  	_ =	swait.ge [sflag:s18], $0x4000  }
0x17c: {  	[sflag:s18] =	ssyncset.done $0x0  }
0x17d: {  	s9 =	rddreg [dreg:$0xd];
	[sflag:s18] =	ssyncadd.s32 $0xFFFFC000  }
0x17e: {  	[tilespmem:s22], [sflag:$0x2] =	stream.indirect.gather [hbm4b:s4+s21], $0x80, s9, s21, $0xb8;
	[tilespmem:$0x1D000] =	vst v63  }
0x17f: {  	_ =	swait.ge [sflag:s23], $0x4000  }
0x180: {  	[sflag:s23] =	ssyncset.done $0x0  }
0x181: {  	s10 =	rddreg [dreg:$0xe];
	[sflag:s23] =	ssyncadd.s32 $0xFFFFC000  }
0x182: {  	[spmem:s2] =	stream.indirect.scatter.add.f32 [tilespmem:s17], [sflag:$0x3], $0x80, s10, s21, $0xb8;
	[tilespmem:$0x1D000] =	vst v63  }
0x183: {  	_ =	swait.ge [sflag:s18], $0x4000  }
0x184: {  	[sflag:s18] =	ssyncset.done $0x0  }
0x185: {  	s8 =	rddreg [dreg:$0xf];
	[sflag:s18] =	ssyncadd.s32 $0xFFFFC000  }
0x186: {  	[tilespmem:s17], [sflag:$0x1] =	stream.indirect.gather [hbm4b:s4+s21], $0x80, s8, s21, $0xb8;
	[tilespmem:$0x1D000] =	vst v63  }
0x187: {  	_ =	swait.ge [sflag:s24], $0x4000  }
0x188: {  	[sflag:s24] =	ssyncset.done $0x0  }
0x189: {  	s9 =	rddreg [dreg:$0x10];
	[sflag:s24] =	ssyncadd.s32 $0xFFFFC000  }
0x18a: {  	[spmem:s2] =	stream.indirect.scatter.add.f32 [tilespmem:s22], [sflag:$0x3], $0x80, s9, s21, $0xb8;
	[tilespmem:$0x1D000] =	vst v63  }
0x18b: {  	_ =	swait.ge [sflag:s18], $0x4000  }
0x18c: {  	[sflag:s18] =	ssyncset.done $0x0  }
0x18d: {  	s10 =	rddreg [dreg:$0x11];
	[sflag:s18] =	ssyncadd.s32 $0xFFFFC000  }
0x18e: {  	[tilespmem:s22], [sflag:$0x2] =	stream.indirect.gather [hbm4b:s4+s21], $0x80, s10, s21, $0xb8;
	[tilespmem:$0x1D000] =	vst v63  }
0x18f: {  	_ =	swait.ge [sflag:s23], $0x4000  }
0x190: {  	[sflag:s23] =	ssyncset.done $0x0  }
0x191: {  	s8 =	rddreg [dreg:$0x12];
	[sflag:s23] =	ssyncadd.s32 $0xFFFFC000  }
0x192: {  	[spmem:s2] =	stream.indirect.scatter.add.f32 [tilespmem:s17], [sflag:$0x3], $0x80, s8, s21, $0xb8;
	[tilespmem:$0x1D000] =	vst v63  }
0x193: {  	_ =	swait.ge [sflag:s18], $0x4000  }
0x194: {  	[sflag:s18] =	ssyncset.done $0x0  }
0x195: {  	s9 =	rddreg [dreg:$0x13];
	[sflag:s18] =	ssyncadd.s32 $0xFFFFC000  }
0x196: {  	[tilespmem:s17], [sflag:$0x1] =	stream.indirect.gather [hbm4b:s4+s21], $0x80, s9, s21, $0xb8;
	[tilespmem:$0x1D000] =	vst v63  }
0x197: {  	_ =	swait.ge [sflag:s24], $0x4000  }
0x198: {  	[sflag:s24] =	ssyncset.done $0x0  }
0x199: {  	[sflag:s24] =	ssyncadd.s32 $0xFFFFC000  }
0x19a: {  	[spmem:s2] =	stream.indirect.scatter.add.f32 [tilespmem:s22], [sflag:$0x3], $0x80, s25, s21, $0xb8;
	[tilespmem:$0x1D000] =	vst v63  }
0x19b: {  	_ =	swait.ge [sflag:s18], $0x4000  }
0x19c: {  	[sflag:s18] =	ssyncset.done $0x0  }
0x19d: {  	[sflag:s18] =	ssyncadd.s32 $0xFFFFC000  }
0x19e: {  	[tilespmem:s22], [sflag:$0x2] =	stream.indirect.gather [hbm4b:s4+s21], $0x80, s26, s21, $0xb8;
	[tilespmem:$0x1D000] =	vst v63  }
0x19f: {  	_ =	swait.ge [sflag:s23], $0x4000  }
0x1a0: {  	[sflag:s23] =	ssyncset.done $0x0  }
0x1a1: {  	[sflag:s23] =	ssyncadd.s32 $0xFFFFC000  }
0x1a2: {  	[spmem:s2] =	stream.indirect.scatter.add.f32 [tilespmem:s17], [sflag:$0x3], $0x80, s28, s21, $0xb8;
	[tilespmem:$0x1D000] =	vst v63  }
0x1a3: {  	_ =	swait.ge [sflag:s18], $0x4000  }
0x1a4: {  	[sflag:s18] =	ssyncset.done $0x0  }
0x1a5: {  	[sflag:s18] =	ssyncadd.s32 $0xFFFFC000  }
0x1a6: {  	[tilespmem:s17], [sflag:$0x1] =	stream.indirect.gather [hbm4b:s4+s21], $0x80, s29, s21, $0xb8;
	[tilespmem:$0x1D000] =	vst v63  }
0x1a7: {  	_ =	swait.ge [sflag:s24], $0x4000  }
0x1a8: {  	[sflag:s24] =	ssyncset.done $0x0  }
0x1a9: {  	[sflag:s24] =	ssyncadd.s32 $0xFFFFC000  }
0x1aa: {  	[spmem:s2] =	stream.indirect.scatter.add.f32 [tilespmem:s22], [sflag:$0x3], $0x80, s30, s21, $0xb8;
	[tilespmem:$0x1D000] =	vst v63  }
0x1ab: {  	_ =	swait.ge [sflag:s18], $0x4000  }
0x1ac: {  	[sflag:s18] =	ssyncset.done $0x0  }
0x1ad: {  	[sflag:s18] =	ssyncadd.s32 $0xFFFFC000  }
0x1ae: {  	[tilespmem:s22], [sflag:$0x2] =	stream.indirect.gather [hbm4b:s4+s21], $0x80, s31, s21, $0xb8;
	[tilespmem:$0x1D000] =	vst v63  }
0x1af: {  	_ =	swait.ge [sflag:s23], $0x4000  }
0x1b0: {  	[sflag:s23] =	ssyncset.done $0x0  }
0x1b1: {  	[sflag:s23] =	ssyncadd.s32 $0xFFFFC000  }
0x1b2: {  	[spmem:s2] =	stream.indirect.scatter.add.f32 [tilespmem:s17], [sflag:$0x3], $0x80, s1, s21, $0xb8;
	[tilespmem:$0x1D000] =	vst v63  }
0x1b3: {  	_ =	swait.ge [sflag:s18], $0x4000  }
0x1b4: {  	[sflag:s18] =	ssyncset.done $0x0  }
0x1b5: {  	[sflag:s18] =	ssyncadd.s32 $0xFFFFC000  }
0x1b6: {  	[tilespmem:s17], [sflag:$0x1] =	stream.indirect.gather [hbm4b:s4+s21], $0x80, s0, s21, $0xb8;
	[tilespmem:$0x1D000] =	vst v63  }
0x1b7: {  	_ =	swait.ge [sflag:s24], $0x4000  }
0x1b8: {  	[sflag:s24] =	ssyncset.done $0x0  }
0x1b9: {  	[sflag:s24] =	ssyncadd.s32 $0xFFFFC000  }
0x1ba: {  	[spmem:s2] =	stream.indirect.scatter.add.f32 [tilespmem:s22], [sflag:$0x3], $0x80, s5, s21, $0xb8;
	[tilespmem:$0x1D000] =	vst v63  }
0x1bb: {  	_ =	swait.ge [sflag:s18], $0x4000  }
0x1bc: {  	[sflag:s18] =	ssyncset.done $0x0  }
0x1bd: {  	[sflag:s18] =	ssyncadd.s32 $0xFFFFC000  }
0x1be: {  	[tilespmem:s22], [sflag:$0x2] =	stream.indirect.gather [hbm4b:s4+s21], $0x80, s11, s21, $0xb8;
	[tilespmem:$0x1D000] =	vst v63  }
0x1bf: {  	_ =	swait.ge [sflag:s23], $0x4000  }
0x1c0: {  	[sflag:s23] =	ssyncset.done $0x0  }
0x1c1: {  	[sflag:s23] =	ssyncadd.s32 $0xFFFFC000  }
0x1c2: {  	[spmem:s2] =	stream.indirect.scatter.add.f32 [tilespmem:s17], [sflag:$0x3], $0x80, s12, s21, $0xb8;
	[tilespmem:$0x1D000] =	vst v63  }
0x1c3: {  	_ =	swait.ge [sflag:s18], $0x4000  }
0x1c4: {  	[sflag:s18] =	ssyncset.done $0x0  }
0x1c5: {  	[sflag:s18] =	ssyncadd.s32 $0xFFFFC000  }
0x1c6: {  	[tilespmem:s17], [sflag:$0x1] =	stream.indirect.gather [hbm4b:s4+s21], $0x80, s13, s21, $0xb8;
	[tilespmem:$0x1D000] =	vst v63  }
0x1c7: {  	_ =	swait.ge [sflag:s24], $0x4000  }
0x1c8: {  	[sflag:s24] =	ssyncset.done $0x0  }
0x1c9: {  	[sflag:s24] =	ssyncadd.s32 $0xFFFFC000  }
0x1ca: {  	[spmem:s2] =	stream.indirect.scatter.add.f32 [tilespmem:s22], [sflag:$0x3], $0x80, s14, s21, $0xb8;
	[tilespmem:$0x1D000] =	vst v63  }
0x1cb: {  	_ =	swait.ge [sflag:s18], $0x4000  }
0x1cc: {  	[sflag:s18] =	ssyncset.done $0x0  }
0x1cd: {  	[sflag:s18] =	ssyncadd.s32 $0xFFFFC000  }
0x1ce: {  	[tilespmem:s22], [sflag:$0x2] =	stream.indirect.gather [hbm4b:s4+s21], $0x80, s15, s21, $0xb8;
	[tilespmem:$0x1D000] =	vst v63  }
0x1cf: {  	_ =	swait.ge [sflag:s23], $0x4000  }
0x1d0: {  	[sflag:s23] =	ssyncset.done $0x0  }
0x1d1: {  	[sflag:s23] =	ssyncadd.s32 $0xFFFFC000  }
0x1d2: {  	[spmem:s2] =	stream.indirect.scatter.add.f32 [tilespmem:s17], [sflag:$0x3], $0x80, s16, s21, $0xb8;
	[tilespmem:$0x1D000] =	vst v63  }
0x1d3: {  	_ =	swait.ge [sflag:s18], $0x4000  }
0x1d4: {  	[sflag:s18] =	ssyncset.done $0x0  }
0x1d5: {  	[sflag:s18] =	ssyncadd.s32 $0xFFFFC000  }
0x1d6: {  	_ =	swait.ge [sflag:s24], $0x4000  }
0x1d7: {  	[sflag:s24] =	ssyncset.done $0x0  }
0x1d8: {  	[sflag:s24] =	ssyncadd.s32 $0xFFFFC000  }
0x1d9: {  	[spmem:s2] =	stream.indirect.scatter.add.f32 [tilespmem:s22], [sflag:$0x3], $0x80, s7, s21, $0xb8;
	[tilespmem:$0x1D000] =	vst v63  }
0x1da: {  	_ =	swait.ge [sflag:s18], $0x4000  }
0x1db: {  	[sflag:s18] =	ssyncset.done $0x0  }
0x1dc: {  	[sflag:s18] =	ssyncadd.s32 $0xFFFFC000  }
0x1dd: {  	[bflag:$0x0] =	sbarrier.arrive $0xFFFF  }
0x1de: {  	s10 =	rddreg [dreg:$0x15]  }
0x1df: {  	[tilespmem:s17], [sflag:$0x3] =	stream.linear.gather [spmem:s10], $0x4000, $0x38;
	[tilespmem:$0x1D000] =	vst v63  }
0x1e0: {  	_ =	swait.ge [sflag:s18], $0x4000  }
0x1e1: {  	[sflag:s18] =	ssyncset.done $0x0  }
0x1e2: {  	s8 =	rddreg [dreg:$0x1a];
	[sflag:s18] =	ssyncadd.s32 $0xFFFFC000  }
0x1e3: {  	[hbm4b:s8+s3] =	stream.linear.scatter [tilespmem:s17], [sflag:$0x3], $0x4000, $0x38;
	[tilespmem:$0x1D000] =	vst v63  }
0x1e4: {  	_ =	swait.ge [sflag:s18], $0x4000  }
0x1e5: {  	[sflag:s18] =	ssyncset.done $0x0  }
0x1e6: {  	s9 =	rddreg [dreg:$0x16];
	[sflag:s18] =	ssyncadd.s32 $0xFFFFC000  }
0x1e7: {  	[tilespmem:s17], [sflag:$0x3] =	stream.linear.gather [spmem:s9], $0x4000, $0x38;
	[tilespmem:$0x1D000] =	vst v63  }
0x1e8: {  	_ =	swait.ge [sflag:s18], $0x4000  }
0x1e9: {  	[sflag:s18] =	ssyncset.done $0x0  }
0x1ea: {  	s10 =	rddreg [dreg:$0x1b];
	[sflag:s18] =	ssyncadd.s32 $0xFFFFC000  }
0x1eb: {  	[hbm4b:s10+s3] =	stream.linear.scatter [tilespmem:s17], [sflag:$0x3], $0x4000, $0x38;
	[tilespmem:$0x1D000] =	vst v63  }
0x1ec: {  	_ =	swait.ge [sflag:s18], $0x4000  }
0x1ed: {  	[sflag:s18] =	ssyncset.done $0x0  }
0x1ee: {  	s10 =	rddreg [dreg:$0x17];
	[sflag:s18] =	ssyncadd.s32 $0xFFFFC000  }
0x1ef: {  	[tilespmem:s17], [sflag:$0x3] =	stream.linear.gather [spmem:s10], $0x4000, $0x38;
	[tilespmem:$0x1D000] =	vst v63  }
0x1f0: {  	_ =	swait.ge [sflag:s18], $0x4000  }
0x1f1: {  	[sflag:s18] =	ssyncset.done $0x0  }
0x1f2: {  	s8 =	rddreg [dreg:$0x1c];
	[sflag:s18] =	ssyncadd.s32 $0xFFFFC000  }
0x1f3: {  	[hbm4b:s8+s3] =	stream.linear.scatter [tilespmem:s17], [sflag:$0x3], $0x4000, $0x38;
	[tilespmem:$0x1D000] =	vst v63  }
0x1f4: {  	_ =	swait.ge [sflag:s18], $0x4000  }
0x1f5: {  	[sflag:s18] =	ssyncset.done $0x0  }
0x1f6: {  	s9 =	rddreg [dreg:$0x18];
	[sflag:s18] =	ssyncadd.s32 $0xFFFFC000  }
0x1f7: {  	[tilespmem:s17], [sflag:$0x3] =	stream.linear.gather [spmem:s9], $0x4000, $0x38;
	[tilespmem:$0x1D000] =	vst v63  }
0x1f8: {  	_ =	swait.ge [sflag:s18], $0x4000  }
0x1f9: {  	[sflag:s18] =	ssyncset.done $0x0  }
0x1fa: {  	s8 =	rddreg [dreg:$0x1d];
	[sflag:s18] =	ssyncadd.s32 $0xFFFFC000  }
0x1fb: {  	[hbm4b:s8+s3] =	stream.linear.scatter [tilespmem:s17], [sflag:$0x3], $0x4000, $0x38;
	[tilespmem:$0x1D000] =	vst v63  }
0x1fc: {  	_ =	swait.ge [sflag:s18], $0x4000  }
0x1fd: {  	[sflag:s18] =	ssyncset.done $0x0  }
0x1fe: {  	s8 =	rddreg [dreg:$0x19];
	[sflag:s18] =	ssyncadd.s32 $0xFFFFC000  }
0x1ff: {  	[tilespmem:s17], [sflag:$0x3] =	stream.linear.gather [spmem:s8], $0x4000, $0x38;
	[tilespmem:$0x1D000] =	vst v63  }
0x200: {  	_ =	swait.ge [sflag:s18], $0x4000  }
0x201: {  	[sflag:s18] =	ssyncset.done $0x0  }
0x202: {  	s9 =	rddreg [dreg:$0x1e];
	[sflag:s18] =	ssyncadd.s32 $0xFFFFC000  }
0x203: {  	[hbm4b:s9+s3] =	stream.linear.scatter [tilespmem:s17], [sflag:$0x3], $0x4000, $0x38;
	[tilespmem:$0x1D000] =	vst v63  }
0x204: {  	_ =	swait.ge [sflag:s18], $0x4000  }
0x205: {  	s6 =	sld [smem:$0x7FD];
	_ =	sdelay $0x2  }
0x206: {  	s9 =	sadd.s32 $0x1, s6;
	s6 =	rddreg [dreg:$0x1f]  }
0x207: {  	p0 =	sne.s32 s9, s6  }
.Ltmp1:
0x208: {  	_ = 	snop;
	(pc) =	sbr.rel @p0 .LBB2_1-.Ltmp1, $3  }
0x209: {  	_ =	sdelay $0x1  }
0x20a: {  	[sflag:s18] =	ssyncset.done $0x0;
	[smem:$0x7FD] =	sst s9  }
0x20b: {  	[sflag:s18] =	ssyncadd.s32 $0xFFFFC000;
	s9 =	rddreg [dreg:$0x15]  }
0x20c: {  	_ =	sfence.sel $0x180000  }
0x20d: {  	[bflag:$0x0] =	sbarrier.arrive $0xFFFF  }
0x20e: {  	_ =	strace $0x9000004A  }
0x20f: {  	s0 =	stileid.u32;
	[bflag:$0x2] =	sbarrier.arrive $0xFFFF  }
0x210: {  	p0 =	sne.s32 s0, $0x0;
	s0 =	rddreg [dreg:$0x3]  }
0x211: {  	s0 =	sadd.s32 @!p0 $0x100000, s0  }
0x212: {  	[sflag:s0] =	ssyncadd.tile.s32 @!p0 $0x1;
	_ =	shalt  }
.Lfunc_end2:
_tile_overlayer_lowered:
.L_overlay_start_2:
0x213: {  	(tag) =	ssettag $0x2  }
0x214: {  	s0 =	rddreg [dreg:$0x0];
	s2 =	stileid.u32  }
0x215: {  	s1 =	rddreg [dreg:$0x1];
	p0 =	sne.s32 s2, $0x0  }
0x216: {  	s3 =	rddreg [dreg:$0x2];
	[bflag:$0x3] =	sbarrier.arrive $0xFFFF;
	s2 =	simm.s32 @!p0 $0x1C03  }
0x217: {  	[timem:s3], [sflag:s2] =	dma.local @!p0 [hbm:s0], s1  }
0x218: {  	s0 =	simm.s32 @!p0 $0x3  }
0x219: {  	_ =	swait.ge @!p0 [sflag:s0], s1  }
0x21a: {  	s1 =	ssub.s32 @!p0 $0x0, s1;
	[sflag:s0] =	ssyncset.done @!p0 $0x0  }
0x21b: {  	[sflag:s0] =	ssyncadd.s32 @!p0 s1  }
0x21c: {  	[bflag:$0x3] =	sbarrier.arrive $0xFFFF  }
0x21d: {  	_ =	shalt  }

</sc_bundles>
